<compile_context>
chip_gen: v7x
topology: tpu7x:2x2x1
jax: 0.10.2.dev20260603
libtpu: 0.0.44.dev20260713+nightly
codegen_flags: <defaults>
</compile_context>

<pallas_src>
import functools

import jax
import jax.numpy as jnp
import numpy as np
from jax import lax
from jax.experimental import pallas as pl
from jax.experimental.pallas import tpu as pltpu
from jax.experimental.pallas import tpu_sc as plsc

N = 1000000
D = 16
NSAMP = 25
B = 16384

_NC = 2
_NSUB = 16
_NW = _NC * _NSUB
_BPW = B // _NW
_CHUNK = 128
_NCHUNK = _BPW // _CHUNK

_LANE = 2048
_NLANE = B // _LANE

_KS0 = np.uint32(0)
_KS1 = np.uint32(42)
_KS2 = np.uint32(0x1BD11BDA) ^ _KS0 ^ _KS1

_P_IN = [2.81022636e-08, 3.43273939e-07, -3.5233877e-06, -4.39150654e-06,
         0.00021858087, -0.00125372503, -0.00417768164, 0.246640727,
         1.50140941]
_P_OUT = [-0.000200214257, 0.000100950558, 0.00134934322, -0.00367342844,
          0.00573950773, -0.0076224613, 0.00943887047, 1.00167406,
          2.83297682]

_LO = np.float32(np.nextafter(np.float32(-1.0), np.float32(0.0)))
_SCALE = np.float32(np.float32(1.0) - _LO)
_SQRT2 = np.float32(np.sqrt(np.float32(2.0)))


def _sc_gather_body(idx_hbm, mu_hbm, sig_hbm, mu_out, sig_out,
                    idx_v, mu_v, sig_v, sem):
    wid = lax.axis_index("s") * _NC + lax.axis_index("c")
    base = wid * _BPW
    pltpu.sync_copy(idx_hbm.at[pl.ds(base, _BPW)], idx_v)
    copies = []
    for j in range(_NCHUNK):
        sl = pl.ds(j * _CHUNK, _CHUNK)
        copies.append(pltpu.async_copy(mu_hbm.at[idx_v.at[sl]], mu_v.at[sl], sem))
        copies.append(pltpu.async_copy(sig_hbm.at[idx_v.at[sl]], sig_v.at[sl], sem))
    for c in copies:
        c.wait()
    pltpu.sync_copy(mu_v, mu_out.at[pl.ds(base, _BPW)])
    pltpu.sync_copy(sig_v, sig_out.at[pl.ds(base, _BPW)])


def _sc_gather(indices, z_mu, z_log_sigma):
    mesh = plsc.VectorSubcoreMesh(core_axis_name="c", subcore_axis_name="s")
    run = functools.partial(
        pl.kernel,
        mesh=mesh,
        out_type=[
            jax.ShapeDtypeStruct((B, D), jnp.float32),
            jax.ShapeDtypeStruct((B, D), jnp.float32),
        ],
        compiler_params=pltpu.CompilerParams(use_tc_tiling_on_sc=False),
        scratch_types=[
            pltpu.VMEM((_BPW,), jnp.int32),
            pltpu.VMEM((_BPW, D), jnp.float32),
            pltpu.VMEM((_BPW, D), jnp.float32),
            pltpu.SemaphoreType.DMA,
        ],
    )(_sc_gather_body)
    return run(indices, z_mu, z_log_sigma)


def _rotl(x, r):
    return (x << r) | (x >> (32 - r))


def _threefry_rounds(x0, x1):
    for r in (13, 15, 26, 6):
        x0 = x0 + x1
        x1 = _rotl(x1, r)
        x1 = x1 ^ x0
    x0 = x0 + _KS1
    x1 = x1 + (_KS2 + np.uint32(1))
    for r in (17, 29, 16, 24):
        x0 = x0 + x1
        x1 = _rotl(x1, r)
        x1 = x1 ^ x0
    x0 = x0 + _KS2
    x1 = x1 + (_KS0 + np.uint32(2))
    for r in (13, 15, 26, 6):
        x0 = x0 + x1
        x1 = _rotl(x1, r)
        x1 = x1 ^ x0
    x0 = x0 + _KS0
    x1 = x1 + (_KS1 + np.uint32(3))
    for r in (17, 29, 16, 24):
        x0 = x0 + x1
        x1 = _rotl(x1, r)
        x1 = x1 ^ x0
    x0 = x0 + _KS1
    x1 = x1 + (_KS2 + np.uint32(4))
    for r in (13, 15, 26, 6):
        x0 = x0 + x1
        x1 = _rotl(x1, r)
        x1 = x1 ^ x0
    x0 = x0 + _KS2
    x1 = x1 + (_KS0 + np.uint32(5))
    return x0, x1


def _tc_rng_body(out_ref):
    s = pl.program_id(0)
    base = (s * (B * D)).astype(jnp.uint32)
    d_io = lax.broadcasted_iota(jnp.uint32, (D, _LANE), 0)
    b_io = lax.broadcasted_iota(jnp.uint32, (D, _LANE), 1)
    r_io = b_io * np.uint32(D) + d_io

    def chunk(c, _):
        i = (base + np.uint32(_LANE * D) * c.astype(jnp.uint32)) + r_io
        x1 = i + _KS1
        x0 = jnp.broadcast_to(_KS0, (D, _LANE)).astype(jnp.uint32)
        x0, x1 = _threefry_rounds(x0, x1)
        bits = x0 ^ x1
        u01 = lax.bitcast_convert_type((bits >> 9) | np.uint32(0x3F800000),
                                       jnp.float32) - np.float32(1.0)
        u = u01 * _SCALE + _LO
        w = -jnp.log1p(-u * u)
        in_range = w < np.float32(5.0)
        t = jnp.where(in_range, w - np.float32(2.5),
                      jnp.sqrt(w) - np.float32(3.0))
        p = jnp.where(in_range, np.float32(_P_IN[0]), np.float32(_P_OUT[0]))
        for a, bco in zip(_P_IN[1:], _P_OUT[1:]):
            csel = jnp.where(in_range, np.float32(a), np.float32(bco))
            p = p * t + csel
        pu = p * u
        sl = pl.ds(c * _LANE, _LANE)
        out_ref[0, :, sl] = pu
        return 0

    lax.fori_loop(0, _NLANE, chunk, 0)


def _tc_rng():
    return pl.pallas_call(
        _tc_rng_body,
        grid=(NSAMP,),
        in_specs=[],
        out_specs=pl.BlockSpec((1, D, B), lambda i: (i, 0, 0)),
        out_shape=jax.ShapeDtypeStruct((NSAMP, D, B), jnp.float32),
    )()


def _tc_fma_body(mu_ref, sig_ref, pu_ref, out_ref, std_ref):
    s = pl.program_id(0)

    @pl.when(s == 0)
    def _():
        sig = sig_ref[...]
        sp = jnp.log1p(jnp.exp(-jnp.abs(sig))) + jnp.maximum(sig, 0.0)
        std_ref[...] = sp * _SQRT2

    out_ref[0] = mu_ref[...] + std_ref[...] * pu_ref[0]


def _tc_fma(mu_t, sig_t, pu):
    return pl.pallas_call(
        _tc_fma_body,
        grid=(NSAMP,),
        in_specs=[
            pl.BlockSpec((D, B), lambda i: (0, 0)),
            pl.BlockSpec((D, B), lambda i: (0, 0)),
            pl.BlockSpec((1, D, B), lambda i: (i, 0, 0)),
        ],
        out_specs=pl.BlockSpec((1, D, B), lambda i: (i, 0, 0)),
        out_shape=jax.ShapeDtypeStruct((NSAMP, D, B), jnp.float32),
        scratch_shapes=[pltpu.VMEM((D, B), jnp.float32)],
        input_output_aliases={2: 0},
    )(mu_t, sig_t, pu)


def kernel(indices, z_mu, z_log_sigma):
    mu_g, sig_g = _sc_gather(indices, z_mu, z_log_sigma)
    pu = _tc_rng()
    out3 = _tc_fma(mu_g.T, sig_g.T, pu)
    return out3.transpose(0, 2, 1)

# --- scband reference (transcript-rebuilt; emitter-appended) ---
"""Pipeline reference for scband-lv-2869038154489 (READ-ONLY COPY).

The authoritative reference and input builder live on the scoring server;
editing this copy changes nothing except your own understanding.
"""

import jax, jax.numpy as jnp
import numpy as np

N = 1000000
D = 16
NS = 25
B = 16384

def setup_inputs(seed: int = 0) -> dict:
    key = jax.random.key(seed)
    indices = jax.random.randint(key, (B,), 0, N, dtype=jnp.int32)
    # Parameters per LV.__init__: z_mu init to lv_init_mu=0.0, z_log_sigma init to log(expm1(lv_init_std=1.0))
    z_mu = jnp.zeros((N, D), dtype=jnp.float32)
    log_var_init = float(np.log(np.expm1(1.0)))
    z_log_sigma = jnp.full((N, D), log_var_init, dtype=jnp.float32)
    return {"indices": indices, "z_mu": z_mu, "z_log_sigma": z_log_sigma}

def reference(indices, z_mu, z_log_sigma):
    # forward: ind = input.reshape(-1).long(); z = sample_weights(ind)
    ind = indices.reshape(-1)
    mu = jnp.take(z_mu, ind, axis=0)               # [B, D] gather
    std = jax.nn.softplus(jnp.take(z_log_sigma, ind, axis=0))  # [B, D] gather + softplus
    # torch.randn(n_samples, ind.shape[0], latent_dim) -> deterministic eps here
    eps = jax.random.normal(jax.random.key(42), (NS, ind.shape[0], D), dtype=jnp.float32)
    z = mu[None, ...] + std[None, ...] * eps       # [NS, B, D]
    return z

if __name__ == "__main__":
    import jax
    _d = setup_inputs()
    print(jax.jit(kernel)(*tuple(_d.values())))

</pallas_src>

<mosaic_0001>
#map = affine_map<(d0, d1) -> (0)>
#map1 = affine_map<(d0, d1) -> (0, 0)>
module attributes {stable_mosaic.version = 14 : i64} {
  func.func @_sc_gather_body(%arg0: i32, %arg1: i32, %arg2: memref<16384xi32, #tpu.memory_space<hbm>>, %arg3: memref<1000000x16xf32, #tpu.memory_space<hbm>>, %arg4: memref<1000000x16xf32, #tpu.memory_space<hbm>>, %arg5: memref<16384x16xf32, #tpu.memory_space<hbm>>, %arg6: memref<16384x16xf32, #tpu.memory_space<hbm>>, %arg7: memref<512xi32, #tpu.memory_space<vmem>>, %arg8: memref<512x16xf32, #tpu.memory_space<vmem>>, %arg9: memref<512x16xf32, #tpu.memory_space<vmem>>, %arg10: memref<!tpu.dma_semaphore, #tpu.memory_space<semaphore_mem>>) attributes {dimension_semantics = [#tpu.dimension_semantics<core_parallel>, #tpu.dimension_semantics<subcore_parallel>], iteration_bounds = array<i64: 2, 16>, scalar_prefetch = 0 : i64, scratch_operands = 4 : i64, tpu.core_type = #tpu.core_type<sc_vector_subcore>, window_params = [{transform_indices = #map}, {transform_indices = #map1}, {transform_indices = #map1}, {transform_indices = #map1}, {transform_indices = #map1}]} {
    %mul3A = arith.constant 2 : i32
    %mul3A_0 = arith.muli %arg1, %mul3A : i32
    %add3A = arith.addi %mul3A_0, %arg0 : i32
    %mul3A_1 = arith.constant 512 : i32
    %mul3A_2 = arith.muli %add3A, %mul3A_1 : i32
    "tpu.region"() ({
      %run_scoped3A = tpu.sem_alloc : memref<!tpu.dma_semaphore, #tpu.memory_space<semaphore_mem>>
      %dma_start3A_129 = tpu.memref_slice %arg2[%mul3A_2] : memref<16384xi32, #tpu.memory_space<hbm>> -> memref<512xi32, #tpu.memory_space<hbm>>
      %dma_start3A_130 = tpu.memref_slice %arg2[%mul3A_2] : memref<16384xi32, #tpu.memory_space<hbm>> -> memref<512xi32, #tpu.memory_space<hbm>>
      tpu.enqueue_dma source(%dma_start3A_130 : memref<512xi32, #tpu.memory_space<hbm>>) target(%arg7 : memref<512xi32, #tpu.memory_space<vmem>>) target_semaphore(%run_scoped3A : memref<!tpu.dma_semaphore, #tpu.memory_space<semaphore_mem>>)
      %dma_wait3A_131 = tpu.memref_slice %arg2[%mul3A_2] : memref<16384xi32, #tpu.memory_space<hbm>> -> memref<512xi32, #tpu.memory_space<hbm>>
      %dma_wait3A_132 = tpu.memref_slice %arg2[%mul3A_2] : memref<16384xi32, #tpu.memory_space<hbm>> -> memref<512xi32, #tpu.memory_space<hbm>>
      tpu.wait_dma2 semaphore(%run_scoped3A : memref<!tpu.dma_semaphore, #tpu.memory_space<semaphore_mem>>) src(%dma_wait3A_132 : memref<512xi32, #tpu.memory_space<hbm>>) dst(%arg7 : memref<512xi32, #tpu.memory_space<vmem>>)
      tpu.yield
    }) : () -> ()
    %dma_start3A = arith.constant 0 : i32
    %dma_start3A_3 = arith.constant 0 : i32
    %dma_start3A_4 = tpu.memref_slice %arg8[%dma_start3A, %dma_start3A_3] : memref<512x16xf32, #tpu.memory_space<vmem>> -> memref<128x16xf32, #tpu.memory_space<vmem>>
    %dma_start3A_5 = arith.constant 0 : i32
    %dma_start3A_6 = tpu.memref_slice %arg7[%dma_start3A_5] : memref<512xi32, #tpu.memory_space<vmem>> -> memref<128xi32, #tpu.memory_space<vmem>>
    %dma_start3A_7 = arith.constant 0 : i32
    %dma_start3A_8 = arith.constant 0 : i32
    %dma_start3A_9 = tpu.memref_slice %arg3[%dma_start3A_7, %dma_start3A_8] : memref<1000000x16xf32, #tpu.memory_space<hbm>> -> memref<1000000x16xf32, #tpu.memory_space<hbm>>
    tpu.enqueue_indirect_dma source(%dma_start3A_9 : memref<1000000x16xf32, #tpu.memory_space<hbm>>) target(%dma_start3A_4 : memref<128x16xf32, #tpu.memory_space<vmem>>) offsets(%dma_start3A_6 : memref<128xi32, #tpu.memory_space<vmem>>) semaphore(%arg10 : memref<!tpu.dma_semaphore, #tpu.memory_space<semaphore_mem>>)
    %dma_start3A_10 = arith.constant 0 : i32
    %dma_start3A_11 = arith.constant 0 : i32
    %dma_start3A_12 = tpu.memref_slice %arg9[%dma_start3A_10, %dma_start3A_11] : memref<512x16xf32, #tpu.memory_space<vmem>> -> memref<128x16xf32, #tpu.memory_space<vmem>>
    %dma_start3A_13 = arith.constant 0 : i32
    %dma_start3A_14 = tpu.memref_slice %arg7[%dma_start3A_13] : memref<512xi32, #tpu.memory_space<vmem>> -> memref<128xi32, #tpu.memory_space<vmem>>
    %dma_start3A_15 = arith.constant 0 : i32
    %dma_start3A_16 = arith.constant 0 : i32
    %dma_start3A_17 = tpu.memref_slice %arg4[%dma_start3A_15, %dma_start3A_16] : memref<1000000x16xf32, #tpu.memory_space<hbm>> -> memref<1000000x16xf32, #tpu.memory_space<hbm>>
    tpu.enqueue_indirect_dma source(%dma_start3A_17 : memref<1000000x16xf32, #tpu.memory_space<hbm>>) target(%dma_start3A_12 : memref<128x16xf32, #tpu.memory_space<vmem>>) offsets(%dma_start3A_14 : memref<128xi32, #tpu.memory_space<vmem>>) semaphore(%arg10 : memref<!tpu.dma_semaphore, #tpu.memory_space<semaphore_mem>>)
    %dma_start3A_18 = arith.constant 128 : i32
    %dma_start3A_19 = arith.constant 0 : i32
    %dma_start3A_20 = tpu.memref_slice %arg8[%dma_start3A_18, %dma_start3A_19] : memref<512x16xf32, #tpu.memory_space<vmem>> -> memref<128x16xf32, #tpu.memory_space<vmem>>
    %dma_start3A_21 = arith.constant 128 : i32
    %dma_start3A_22 = tpu.memref_slice %arg7[%dma_start3A_21] : memref<512xi32, #tpu.memory_space<vmem>> -> memref<128xi32, #tpu.memory_space<vmem>>
    %dma_start3A_23 = arith.constant 0 : i32
    %dma_start3A_24 = arith.constant 0 : i32
    %dma_start3A_25 = tpu.memref_slice %arg3[%dma_start3A_23, %dma_start3A_24] : memref<1000000x16xf32, #tpu.memory_space<hbm>> -> memref<1000000x16xf32, #tpu.memory_space<hbm>>
    tpu.enqueue_indirect_dma source(%dma_start3A_25 : memref<1000000x16xf32, #tpu.memory_space<hbm>>) target(%dma_start3A_20 : memref<128x16xf32, #tpu.memory_space<vmem>>) offsets(%dma_start3A_22 : memref<128xi32, #tpu.memory_space<vmem>>) semaphore(%arg10 : memref<!tpu.dma_semaphore, #tpu.memory_space<semaphore_mem>>)
    %dma_start3A_26 = arith.constant 128 : i32
    %dma_start3A_27 = arith.constant 0 : i32
    %dma_start3A_28 = tpu.memref_slice %arg9[%dma_start3A_26, %dma_start3A_27] : memref<512x16xf32, #tpu.memory_space<vmem>> -> memref<128x16xf32, #tpu.memory_space<vmem>>
    %dma_start3A_29 = arith.constant 128 : i32
    %dma_start3A_30 = tpu.memref_slice %arg7[%dma_start3A_29] : memref<512xi32, #tpu.memory_space<vmem>> -> memref<128xi32, #tpu.memory_space<vmem>>
    %dma_start3A_31 = arith.constant 0 : i32
    %dma_start3A_32 = arith.constant 0 : i32
    %dma_start3A_33 = tpu.memref_slice %arg4[%dma_start3A_31, %dma_start3A_32] : memref<1000000x16xf32, #tpu.memory_space<hbm>> -> memref<1000000x16xf32, #tpu.memory_space<hbm>>
    tpu.enqueue_indirect_dma source(%dma_start3A_33 : memref<1000000x16xf32, #tpu.memory_space<hbm>>) target(%dma_start3A_28 : memref<128x16xf32, #tpu.memory_space<vmem>>) offsets(%dma_start3A_30 : memref<128xi32, #tpu.memory_space<vmem>>) semaphore(%arg10 : memref<!tpu.dma_semaphore, #tpu.memory_space<semaphore_mem>>)
    %dma_start3A_34 = arith.constant 256 : i32
    %dma_start3A_35 = arith.constant 0 : i32
    %dma_start3A_36 = tpu.memref_slice %arg8[%dma_start3A_34, %dma_start3A_35] : memref<512x16xf32, #tpu.memory_space<vmem>> -> memref<128x16xf32, #tpu.memory_space<vmem>>
    %dma_start3A_37 = arith.constant 256 : i32
    %dma_start3A_38 = tpu.memref_slice %arg7[%dma_start3A_37] : memref<512xi32, #tpu.memory_space<vmem>> -> memref<128xi32, #tpu.memory_space<vmem>>
    %dma_start3A_39 = arith.constant 0 : i32
    %dma_start3A_40 = arith.constant 0 : i32
    %dma_start3A_41 = tpu.memref_slice %arg3[%dma_start3A_39, %dma_start3A_40] : memref<1000000x16xf32, #tpu.memory_space<hbm>> -> memref<1000000x16xf32, #tpu.memory_space<hbm>>
    tpu.enqueue_indirect_dma source(%dma_start3A_41 : memref<1000000x16xf32, #tpu.memory_space<hbm>>) target(%dma_start3A_36 : memref<128x16xf32, #tpu.memory_space<vmem>>) offsets(%dma_start3A_38 : memref<128xi32, #tpu.memory_space<vmem>>) semaphore(%arg10 : memref<!tpu.dma_semaphore, #tpu.memory_space<semaphore_mem>>)
    %dma_start3A_42 = arith.constant 256 : i32
    %dma_start3A_43 = arith.constant 0 : i32
    %dma_start3A_44 = tpu.memref_slice %arg9[%dma_start3A_42, %dma_start3A_43] : memref<512x16xf32, #tpu.memory_space<vmem>> -> memref<128x16xf32, #tpu.memory_space<vmem>>
    %dma_start3A_45 = arith.constant 256 : i32
    %dma_start3A_46 = tpu.memref_slice %arg7[%dma_start3A_45] : memref<512xi32, #tpu.memory_space<vmem>> -> memref<128xi32, #tpu.memory_space<vmem>>
    %dma_start3A_47 = arith.constant 0 : i32
    %dma_start3A_48 = arith.constant 0 : i32
    %dma_start3A_49 = tpu.memref_slice %arg4[%dma_start3A_47, %dma_start3A_48] : memref<1000000x16xf32, #tpu.memory_space<hbm>> -> memref<1000000x16xf32, #tpu.memory_space<hbm>>
    tpu.enqueue_indirect_dma source(%dma_start3A_49 : memref<1000000x16xf32, #tpu.memory_space<hbm>>) target(%dma_start3A_44 : memref<128x16xf32, #tpu.memory_space<vmem>>) offsets(%dma_start3A_46 : memref<128xi32, #tpu.memory_space<vmem>>) semaphore(%arg10 : memref<!tpu.dma_semaphore, #tpu.memory_space<semaphore_mem>>)
    %dma_start3A_50 = arith.constant 384 : i32
    %dma_start3A_51 = arith.constant 0 : i32
    %dma_start3A_52 = tpu.memref_slice %arg8[%dma_start3A_50, %dma_start3A_51] : memref<512x16xf32, #tpu.memory_space<vmem>> -> memref<128x16xf32, #tpu.memory_space<vmem>>
    %dma_start3A_53 = arith.constant 384 : i32
    %dma_start3A_54 = tpu.memref_slice %arg7[%dma_start3A_53] : memref<512xi32, #tpu.memory_space<vmem>> -> memref<128xi32, #tpu.memory_space<vmem>>
    %dma_start3A_55 = arith.constant 0 : i32
    %dma_start3A_56 = arith.constant 0 : i32
    %dma_start3A_57 = tpu.memref_slice %arg3[%dma_start3A_55, %dma_start3A_56] : memref<1000000x16xf32, #tpu.memory_space<hbm>> -> memref<1000000x16xf32, #tpu.memory_space<hbm>>
    tpu.enqueue_indirect_dma source(%dma_start3A_57 : memref<1000000x16xf32, #tpu.memory_space<hbm>>) target(%dma_start3A_52 : memref<128x16xf32, #tpu.memory_space<vmem>>) offsets(%dma_start3A_54 : memref<128xi32, #tpu.memory_space<vmem>>) semaphore(%arg10 : memref<!tpu.dma_semaphore, #tpu.memory_space<semaphore_mem>>)
    %dma_start3A_58 = arith.constant 384 : i32
    %dma_start3A_59 = arith.constant 0 : i32
    %dma_start3A_60 = tpu.memref_slice %arg9[%dma_start3A_58, %dma_start3A_59] : memref<512x16xf32, #tpu.memory_space<vmem>> -> memref<128x16xf32, #tpu.memory_space<vmem>>
    %dma_start3A_61 = arith.constant 384 : i32
    %dma_start3A_62 = tpu.memref_slice %arg7[%dma_start3A_61] : memref<512xi32, #tpu.memory_space<vmem>> -> memref<128xi32, #tpu.memory_space<vmem>>
    %dma_start3A_63 = arith.constant 0 : i32
    %dma_start3A_64 = arith.constant 0 : i32
    %dma_start3A_65 = tpu.memref_slice %arg4[%dma_start3A_63, %dma_start3A_64] : memref<1000000x16xf32, #tpu.memory_space<hbm>> -> memref<1000000x16xf32, #tpu.memory_space<hbm>>
    tpu.enqueue_indirect_dma source(%dma_start3A_65 : memref<1000000x16xf32, #tpu.memory_space<hbm>>) target(%dma_start3A_60 : memref<128x16xf32, #tpu.memory_space<vmem>>) offsets(%dma_start3A_62 : memref<128xi32, #tpu.memory_space<vmem>>) semaphore(%arg10 : memref<!tpu.dma_semaphore, #tpu.memory_space<semaphore_mem>>)
    %dma_wait3A = arith.constant 0 : i32
    %dma_wait3A_66 = arith.constant 0 : i32
    %dma_wait3A_67 = tpu.memref_slice %arg8[%dma_wait3A, %dma_wait3A_66] : memref<512x16xf32, #tpu.memory_space<vmem>> -> memref<128x16xf32, #tpu.memory_space<vmem>>
    %dma_wait3A_68 = arith.constant 0 : i32
    %dma_wait3A_69 = tpu.memref_slice %arg7[%dma_wait3A_68] : memref<512xi32, #tpu.memory_space<vmem>> -> memref<128xi32, #tpu.memory_space<vmem>>
    %dma_wait3A_70 = arith.constant 0 : i32
    %dma_wait3A_71 = arith.constant 0 : i32
    %dma_wait3A_72 = tpu.memref_slice %arg3[%dma_wait3A_70, %dma_wait3A_71] : memref<1000000x16xf32, #tpu.memory_space<hbm>> -> memref<1000000x16xf32, #tpu.memory_space<hbm>>
    tpu.wait_indirect_dma semaphore(%arg10 : memref<!tpu.dma_semaphore, #tpu.memory_space<semaphore_mem>>) src(%dma_wait3A_72 : memref<1000000x16xf32, #tpu.memory_space<hbm>>) dst(%dma_wait3A_67 : memref<128x16xf32, #tpu.memory_space<vmem>>)
    %dma_wait3A_73 = arith.constant 0 : i32
    %dma_wait3A_74 = arith.constant 0 : i32
    %dma_wait3A_75 = tpu.memref_slice %arg9[%dma_wait3A_73, %dma_wait3A_74] : memref<512x16xf32, #tpu.memory_space<vmem>> -> memref<128x16xf32, #tpu.memory_space<vmem>>
    %dma_wait3A_76 = arith.constant 0 : i32
    %dma_wait3A_77 = tpu.memref_slice %arg7[%dma_wait3A_76] : memref<512xi32, #tpu.memory_space<vmem>> -> memref<128xi32, #tpu.memory_space<vmem>>
    %dma_wait3A_78 = arith.constant 0 : i32
    %dma_wait3A_79 = arith.constant 0 : i32
    %dma_wait3A_80 = tpu.memref_slice %arg4[%dma_wait3A_78, %dma_wait3A_79] : memref<1000000x16xf32, #tpu.memory_space<hbm>> -> memref<1000000x16xf32, #tpu.memory_space<hbm>>
    tpu.wait_indirect_dma semaphore(%arg10 : memref<!tpu.dma_semaphore, #tpu.memory_space<semaphore_mem>>) src(%dma_wait3A_80 : memref<1000000x16xf32, #tpu.memory_space<hbm>>) dst(%dma_wait3A_75 : memref<128x16xf32, #tpu.memory_space<vmem>>)
    %dma_wait3A_81 = arith.constant 128 : i32
    %dma_wait3A_82 = arith.constant 0 : i32
    %dma_wait3A_83 = tpu.memref_slice %arg8[%dma_wait3A_81, %dma_wait3A_82] : memref<512x16xf32, #tpu.memory_space<vmem>> -> memref<128x16xf32, #tpu.memory_space<vmem>>
    %dma_wait3A_84 = arith.constant 128 : i32
    %dma_wait3A_85 = tpu.memref_slice %arg7[%dma_wait3A_84] : memref<512xi32, #tpu.memory_space<vmem>> -> memref<128xi32, #tpu.memory_space<vmem>>
    %dma_wait3A_86 = arith.constant 0 : i32
    %dma_wait3A_87 = arith.constant 0 : i32
    %dma_wait3A_88 = tpu.memref_slice %arg3[%dma_wait3A_86, %dma_wait3A_87] : memref<1000000x16xf32, #tpu.memory_space<hbm>> -> memref<1000000x16xf32, #tpu.memory_space<hbm>>
    tpu.wait_indirect_dma semaphore(%arg10 : memref<!tpu.dma_semaphore, #tpu.memory_space<semaphore_mem>>) src(%dma_wait3A_88 : memref<1000000x16xf32, #tpu.memory_space<hbm>>) dst(%dma_wait3A_83 : memref<128x16xf32, #tpu.memory_space<vmem>>)
    %dma_wait3A_89 = arith.constant 128 : i32
    %dma_wait3A_90 = arith.constant 0 : i32
    %dma_wait3A_91 = tpu.memref_slice %arg9[%dma_wait3A_89, %dma_wait3A_90] : memref<512x16xf32, #tpu.memory_space<vmem>> -> memref<128x16xf32, #tpu.memory_space<vmem>>
    %dma_wait3A_92 = arith.constant 128 : i32
    %dma_wait3A_93 = tpu.memref_slice %arg7[%dma_wait3A_92] : memref<512xi32, #tpu.memory_space<vmem>> -> memref<128xi32, #tpu.memory_space<vmem>>
    %dma_wait3A_94 = arith.constant 0 : i32
    %dma_wait3A_95 = arith.constant 0 : i32
    %dma_wait3A_96 = tpu.memref_slice %arg4[%dma_wait3A_94, %dma_wait3A_95] : memref<1000000x16xf32, #tpu.memory_space<hbm>> -> memref<1000000x16xf32, #tpu.memory_space<hbm>>
    tpu.wait_indirect_dma semaphore(%arg10 : memref<!tpu.dma_semaphore, #tpu.memory_space<semaphore_mem>>) src(%dma_wait3A_96 : memref<1000000x16xf32, #tpu.memory_space<hbm>>) dst(%dma_wait3A_91 : memref<128x16xf32, #tpu.memory_space<vmem>>)
    %dma_wait3A_97 = arith.constant 256 : i32
    %dma_wait3A_98 = arith.constant 0 : i32
    %dma_wait3A_99 = tpu.memref_slice %arg8[%dma_wait3A_97, %dma_wait3A_98] : memref<512x16xf32, #tpu.memory_space<vmem>> -> memref<128x16xf32, #tpu.memory_space<vmem>>
    %dma_wait3A_100 = arith.constant 256 : i32
    %dma_wait3A_101 = tpu.memref_slice %arg7[%dma_wait3A_100] : memref<512xi32, #tpu.memory_space<vmem>> -> memref<128xi32, #tpu.memory_space<vmem>>
    %dma_wait3A_102 = arith.constant 0 : i32
    %dma_wait3A_103 = arith.constant 0 : i32
    %dma_wait3A_104 = tpu.memref_slice %arg3[%dma_wait3A_102, %dma_wait3A_103] : memref<1000000x16xf32, #tpu.memory_space<hbm>> -> memref<1000000x16xf32, #tpu.memory_space<hbm>>
    tpu.wait_indirect_dma semaphore(%arg10 : memref<!tpu.dma_semaphore, #tpu.memory_space<semaphore_mem>>) src(%dma_wait3A_104 : memref<1000000x16xf32, #tpu.memory_space<hbm>>) dst(%dma_wait3A_99 : memref<128x16xf32, #tpu.memory_space<vmem>>)
    %dma_wait3A_105 = arith.constant 256 : i32
    %dma_wait3A_106 = arith.constant 0 : i32
    %dma_wait3A_107 = tpu.memref_slice %arg9[%dma_wait3A_105, %dma_wait3A_106] : memref<512x16xf32, #tpu.memory_space<vmem>> -> memref<128x16xf32, #tpu.memory_space<vmem>>
    %dma_wait3A_108 = arith.constant 256 : i32
    %dma_wait3A_109 = tpu.memref_slice %arg7[%dma_wait3A_108] : memref<512xi32, #tpu.memory_space<vmem>> -> memref<128xi32, #tpu.memory_space<vmem>>
    %dma_wait3A_110 = arith.constant 0 : i32
    %dma_wait3A_111 = arith.constant 0 : i32
    %dma_wait3A_112 = tpu.memref_slice %arg4[%dma_wait3A_110, %dma_wait3A_111] : memref<1000000x16xf32, #tpu.memory_space<hbm>> -> memref<1000000x16xf32, #tpu.memory_space<hbm>>
    tpu.wait_indirect_dma semaphore(%arg10 : memref<!tpu.dma_semaphore, #tpu.memory_space<semaphore_mem>>) src(%dma_wait3A_112 : memref<1000000x16xf32, #tpu.memory_space<hbm>>) dst(%dma_wait3A_107 : memref<128x16xf32, #tpu.memory_space<vmem>>)
    %dma_wait3A_113 = arith.constant 384 : i32
    %dma_wait3A_114 = arith.constant 0 : i32
    %dma_wait3A_115 = tpu.memref_slice %arg8[%dma_wait3A_113, %dma_wait3A_114] : memref<512x16xf32, #tpu.memory_space<vmem>> -> memref<128x16xf32, #tpu.memory_space<vmem>>
    %dma_wait3A_116 = arith.constant 384 : i32
    %dma_wait3A_117 = tpu.memref_slice %arg7[%dma_wait3A_116] : memref<512xi32, #tpu.memory_space<vmem>> -> memref<128xi32, #tpu.memory_space<vmem>>
    %dma_wait3A_118 = arith.constant 0 : i32
    %dma_wait3A_119 = arith.constant 0 : i32
    %dma_wait3A_120 = tpu.memref_slice %arg3[%dma_wait3A_118, %dma_wait3A_119] : memref<1000000x16xf32, #tpu.memory_space<hbm>> -> memref<1000000x16xf32, #tpu.memory_space<hbm>>
    tpu.wait_indirect_dma semaphore(%arg10 : memref<!tpu.dma_semaphore, #tpu.memory_space<semaphore_mem>>) src(%dma_wait3A_120 : memref<1000000x16xf32, #tpu.memory_space<hbm>>) dst(%dma_wait3A_115 : memref<128x16xf32, #tpu.memory_space<vmem>>)
    %dma_wait3A_121 = arith.constant 384 : i32
    %dma_wait3A_122 = arith.constant 0 : i32
    %dma_wait3A_123 = tpu.memref_slice %arg9[%dma_wait3A_121, %dma_wait3A_122] : memref<512x16xf32, #tpu.memory_space<vmem>> -> memref<128x16xf32, #tpu.memory_space<vmem>>
    %dma_wait3A_124 = arith.constant 384 : i32
    %dma_wait3A_125 = tpu.memref_slice %arg7[%dma_wait3A_124] : memref<512xi32, #tpu.memory_space<vmem>> -> memref<128xi32, #tpu.memory_space<vmem>>
    %dma_wait3A_126 = arith.constant 0 : i32
    %dma_wait3A_127 = arith.constant 0 : i32
    %dma_wait3A_128 = tpu.memref_slice %arg4[%dma_wait3A_126, %dma_wait3A_127] : memref<1000000x16xf32, #tpu.memory_space<hbm>> -> memref<1000000x16xf32, #tpu.memory_space<hbm>>
    tpu.wait_indirect_dma semaphore(%arg10 : memref<!tpu.dma_semaphore, #tpu.memory_space<semaphore_mem>>) src(%dma_wait3A_128 : memref<1000000x16xf32, #tpu.memory_space<hbm>>) dst(%dma_wait3A_123 : memref<128x16xf32, #tpu.memory_space<vmem>>)
    "tpu.region"() ({
      %run_scoped3A = tpu.sem_alloc : memref<!tpu.dma_semaphore, #tpu.memory_space<semaphore_mem>>
      %dma_start3A_129 = arith.constant 0 : i32
      %dma_start3A_130 = tpu.memref_slice %arg5[%mul3A_2, %dma_start3A_129] : memref<16384x16xf32, #tpu.memory_space<hbm>> -> memref<512x16xf32, #tpu.memory_space<hbm>>
      %dma_start3A_131 = arith.constant 0 : i32
      %dma_start3A_132 = tpu.memref_slice %arg5[%mul3A_2, %dma_start3A_131] : memref<16384x16xf32, #tpu.memory_space<hbm>> -> memref<512x16xf32, #tpu.memory_space<hbm>>
      tpu.enqueue_dma source(%arg8 : memref<512x16xf32, #tpu.memory_space<vmem>>) target(%dma_start3A_132 : memref<512x16xf32, #tpu.memory_space<hbm>>) target_semaphore(%run_scoped3A : memref<!tpu.dma_semaphore, #tpu.memory_space<semaphore_mem>>)
      %dma_wait3A_133 = arith.constant 0 : i32
      %dma_wait3A_134 = tpu.memref_slice %arg5[%mul3A_2, %dma_wait3A_133] : memref<16384x16xf32, #tpu.memory_space<hbm>> -> memref<512x16xf32, #tpu.memory_space<hbm>>
      %dma_wait3A_135 = arith.constant 0 : i32
      %dma_wait3A_136 = tpu.memref_slice %arg5[%mul3A_2, %dma_wait3A_135] : memref<16384x16xf32, #tpu.memory_space<hbm>> -> memref<512x16xf32, #tpu.memory_space<hbm>>
      tpu.wait_dma2 semaphore(%run_scoped3A : memref<!tpu.dma_semaphore, #tpu.memory_space<semaphore_mem>>) src(%arg8 : memref<512x16xf32, #tpu.memory_space<vmem>>) dst(%dma_wait3A_136 : memref<512x16xf32, #tpu.memory_space<hbm>>)
      tpu.yield
    }) : () -> ()
    "tpu.region"() ({
      %run_scoped3A = tpu.sem_alloc : memref<!tpu.dma_semaphore, #tpu.memory_space<semaphore_mem>>
      %dma_start3A_129 = arith.constant 0 : i32
      %dma_start3A_130 = tpu.memref_slice %arg6[%mul3A_2, %dma_start3A_129] : memref<16384x16xf32, #tpu.memory_space<hbm>> -> memref<512x16xf32, #tpu.memory_space<hbm>>
      %dma_start3A_131 = arith.constant 0 : i32
      %dma_start3A_132 = tpu.memref_slice %arg6[%mul3A_2, %dma_start3A_131] : memref<16384x16xf32, #tpu.memory_space<hbm>> -> memref<512x16xf32, #tpu.memory_space<hbm>>
      tpu.enqueue_dma source(%arg9 : memref<512x16xf32, #tpu.memory_space<vmem>>) target(%dma_start3A_132 : memref<512x16xf32, #tpu.memory_space<hbm>>) target_semaphore(%run_scoped3A : memref<!tpu.dma_semaphore, #tpu.memory_space<semaphore_mem>>)
      %dma_wait3A_133 = arith.constant 0 : i32
      %dma_wait3A_134 = tpu.memref_slice %arg6[%mul3A_2, %dma_wait3A_133] : memref<16384x16xf32, #tpu.memory_space<hbm>> -> memref<512x16xf32, #tpu.memory_space<hbm>>
      %dma_wait3A_135 = arith.constant 0 : i32
      %dma_wait3A_136 = tpu.memref_slice %arg6[%mul3A_2, %dma_wait3A_135] : memref<16384x16xf32, #tpu.memory_space<hbm>> -> memref<512x16xf32, #tpu.memory_space<hbm>>
      tpu.wait_dma2 semaphore(%run_scoped3A : memref<!tpu.dma_semaphore, #tpu.memory_space<semaphore_mem>>) src(%arg9 : memref<512x16xf32, #tpu.memory_space<vmem>>) dst(%dma_wait3A_136 : memref<512x16xf32, #tpu.memory_space<hbm>>)
      tpu.yield
    }) : () -> ()
    return
  }
}

module attributes {stable_mosaic.version = 14 : i64} {
  func.func @_tc_rng_body(%arg0: i32, %arg1: memref<1x16x16384xf32, #tpu.memory_space<vmem>>) attributes {dimension_semantics = [#tpu.dimension_semantics<arbitrary>], iteration_bounds = array<i64: 25>, scalar_prefetch = 0 : i64, scratch_operands = 0 : i64, tpu.core_type = #tpu.core_type<tc>, window_params = [{transform_indices = @transform_0, window_bounds = array<i64: 1, 16, 16384>}]} {
    %mul3A = arith.constant 262144 : i32
    %mul3A_0 = arith.muli %arg0, %mul3A : i32
    %iota3A = tpu.iota {dimensions = array<i32: 0>} : vector<16x2048xi32>
    %iota3A_1 = tpu.iota {dimensions = array<i32: 1>} : vector<16x2048xi32>
    %mul3A_2 = arith.constant 16 : i32
    %mul3A_3 = vector.broadcast %mul3A_2 : i32 to vector<16x2048xi32>
    %mul3A_4 = arith.muli %iota3A_1, %mul3A_3 : vector<16x2048xi32>
    %add3A = arith.addi %mul3A_4, %iota3A : vector<16x2048xi32>
    %scan3A = arith.constant 0 : i32
    %scan3A_5 = arith.constant 8 : i32
    %scan3A_6 = arith.addi %scan3A, %scan3A_5 : i32
    %scan3A_7 = arith.constant 1 : i32
    scf.for %scan3A_9 = %scan3A to %scan3A_6 step %scan3A_7  : i32 {
      %mul3A_10 = arith.constant 32768 : i32
      %mul3A_11 = arith.muli %mul3A_10, %scan3A_9 : i32
      %add3A_12 = arith.addi %mul3A_0, %mul3A_11 : i32
      %add3A_13 = vector.broadcast %add3A_12 : i32 to vector<16x2048xi32>
      %add3A_14 = arith.addi %add3A_13, %add3A : vector<16x2048xi32>
      %add3A_15 = arith.constant 42 : i32
      %add3A_16 = vector.broadcast %add3A_15 : i32 to vector<16x2048xi32>
      %add3A_17 = arith.addi %add3A_14, %add3A_16 : vector<16x2048xi32>
      %broadcast_in_dim3A = arith.constant 0 : i32
      %broadcast_in_dim3A_18 = vector.broadcast %broadcast_in_dim3A : i32 to vector<16x2048xi32>
      %add3A_19 = arith.addi %broadcast_in_dim3A_18, %add3A_17 : vector<16x2048xi32>
      %shift_left3A = arith.constant 13 : i32
      %shift_left3A_20 = vector.broadcast %shift_left3A : i32 to vector<16x2048xi32>
      %shift_left3A_21 = arith.shli %add3A_17, %shift_left3A_20 : vector<16x2048xi32>
      %shift_right_logical3A = arith.constant 19 : i32
      %shift_right_logical3A_22 = vector.broadcast %shift_right_logical3A : i32 to vector<16x2048xi32>
      %shift_right_logical3A_23 = arith.shrui %add3A_17, %shift_right_logical3A_22 : vector<16x2048xi32>
      %or3A = arith.ori %shift_left3A_21, %shift_right_logical3A_23 : vector<16x2048xi32>
      %xor3A = arith.xori %or3A, %add3A_19 : vector<16x2048xi32>
      %add3A_24 = arith.addi %add3A_19, %xor3A : vector<16x2048xi32>
      %shift_left3A_25 = arith.constant 15 : i32
      %shift_left3A_26 = vector.broadcast %shift_left3A_25 : i32 to vector<16x2048xi32>
      %shift_left3A_27 = arith.shli %xor3A, %shift_left3A_26 : vector<16x2048xi32>
      %shift_right_logical3A_28 = arith.constant 17 : i32
      %shift_right_logical3A_29 = vector.broadcast %shift_right_logical3A_28 : i32 to vector<16x2048xi32>
      %shift_right_logical3A_30 = arith.shrui %xor3A, %shift_right_logical3A_29 : vector<16x2048xi32>
      %or3A_31 = arith.ori %shift_left3A_27, %shift_right_logical3A_30 : vector<16x2048xi32>
      %xor3A_32 = arith.xori %or3A_31, %add3A_24 : vector<16x2048xi32>
      %add3A_33 = arith.addi %add3A_24, %xor3A_32 : vector<16x2048xi32>
      %shift_left3A_34 = arith.constant 26 : i32
      %shift_left3A_35 = vector.broadcast %shift_left3A_34 : i32 to vector<16x2048xi32>
      %shift_left3A_36 = arith.shli %xor3A_32, %shift_left3A_35 : vector<16x2048xi32>
      %shift_right_logical3A_37 = arith.constant 6 : i32
      %shift_right_logical3A_38 = vector.broadcast %shift_right_logical3A_37 : i32 to vector<16x2048xi32>
      %shift_right_logical3A_39 = arith.shrui %xor3A_32, %shift_right_logical3A_38 : vector<16x2048xi32>
      %or3A_40 = arith.ori %shift_left3A_36, %shift_right_logical3A_39 : vector<16x2048xi32>
      %xor3A_41 = arith.xori %or3A_40, %add3A_33 : vector<16x2048xi32>
      %add3A_42 = arith.addi %add3A_33, %xor3A_41 : vector<16x2048xi32>
      %shift_left3A_43 = arith.constant 6 : i32
      %shift_left3A_44 = vector.broadcast %shift_left3A_43 : i32 to vector<16x2048xi32>
      %shift_left3A_45 = arith.shli %xor3A_41, %shift_left3A_44 : vector<16x2048xi32>
      %shift_right_logical3A_46 = arith.constant 26 : i32
      %shift_right_logical3A_47 = vector.broadcast %shift_right_logical3A_46 : i32 to vector<16x2048xi32>
      %shift_right_logical3A_48 = arith.shrui %xor3A_41, %shift_right_logical3A_47 : vector<16x2048xi32>
      %or3A_49 = arith.ori %shift_left3A_45, %shift_right_logical3A_48 : vector<16x2048xi32>
      %xor3A_50 = arith.xori %or3A_49, %add3A_42 : vector<16x2048xi32>
      %add3A_51 = arith.constant 42 : i32
      %add3A_52 = vector.broadcast %add3A_51 : i32 to vector<16x2048xi32>
      %add3A_53 = arith.addi %add3A_42, %add3A_52 : vector<16x2048xi32>
      %add3A_54 = arith.constant 466689009 : i32
      %add3A_55 = vector.broadcast %add3A_54 : i32 to vector<16x2048xi32>
      %add3A_56 = arith.addi %xor3A_50, %add3A_55 : vector<16x2048xi32>
      %add3A_57 = arith.addi %add3A_53, %add3A_56 : vector<16x2048xi32>
      %shift_left3A_58 = arith.constant 17 : i32
      %shift_left3A_59 = vector.broadcast %shift_left3A_58 : i32 to vector<16x2048xi32>
      %shift_left3A_60 = arith.shli %add3A_56, %shift_left3A_59 : vector<16x2048xi32>
      %shift_right_logical3A_61 = arith.constant 15 : i32
      %shift_right_logical3A_62 = vector.broadcast %shift_right_logical3A_61 : i32 to vector<16x2048xi32>
      %shift_right_logical3A_63 = arith.shrui %add3A_56, %shift_right_logical3A_62 : vector<16x2048xi32>
      %or3A_64 = arith.ori %shift_left3A_60, %shift_right_logical3A_63 : vector<16x2048xi32>
      %xor3A_65 = arith.xori %or3A_64, %add3A_57 : vector<16x2048xi32>
      %add3A_66 = arith.addi %add3A_57, %xor3A_65 : vector<16x2048xi32>
      %shift_left3A_67 = arith.constant 29 : i32
      %shift_left3A_68 = vector.broadcast %shift_left3A_67 : i32 to vector<16x2048xi32>
      %shift_left3A_69 = arith.shli %xor3A_65, %shift_left3A_68 : vector<16x2048xi32>
      %shift_right_logical3A_70 = arith.constant 3 : i32
      %shift_right_logical3A_71 = vector.broadcast %shift_right_logical3A_70 : i32 to vector<16x2048xi32>
      %shift_right_logical3A_72 = arith.shrui %xor3A_65, %shift_right_logical3A_71 : vector<16x2048xi32>
      %or3A_73 = arith.ori %shift_left3A_69, %shift_right_logical3A_72 : vector<16x2048xi32>
      %xor3A_74 = arith.xori %or3A_73, %add3A_66 : vector<16x2048xi32>
      %add3A_75 = arith.addi %add3A_66, %xor3A_74 : vector<16x2048xi32>
      %shift_left3A_76 = arith.constant 16 : i32
      %shift_left3A_77 = vector.broadcast %shift_left3A_76 : i32 to vector<16x2048xi32>
      %shift_left3A_78 = arith.shli %xor3A_74, %shift_left3A_77 : vector<16x2048xi32>
      %shift_right_logical3A_79 = arith.constant 16 : i32
      %shift_right_logical3A_80 = vector.broadcast %shift_right_logical3A_79 : i32 to vector<16x2048xi32>
      %shift_right_logical3A_81 = arith.shrui %xor3A_74, %shift_right_logical3A_80 : vector<16x2048xi32>
      %or3A_82 = arith.ori %shift_left3A_78, %shift_right_logical3A_81 : vector<16x2048xi32>
      %xor3A_83 = arith.xori %or3A_82, %add3A_75 : vector<16x2048xi32>
      %add3A_84 = arith.addi %add3A_75, %xor3A_83 : vector<16x2048xi32>
      %shift_left3A_85 = arith.constant 24 : i32
      %shift_left3A_86 = vector.broadcast %shift_left3A_85 : i32 to vector<16x2048xi32>
      %shift_left3A_87 = arith.shli %xor3A_83, %shift_left3A_86 : vector<16x2048xi32>
      %shift_right_logical3A_88 = arith.constant 8 : i32
      %shift_right_logical3A_89 = vector.broadcast %shift_right_logical3A_88 : i32 to vector<16x2048xi32>
      %shift_right_logical3A_90 = arith.shrui %xor3A_83, %shift_right_logical3A_89 : vector<16x2048xi32>
      %or3A_91 = arith.ori %shift_left3A_87, %shift_right_logical3A_90 : vector<16x2048xi32>
      %xor3A_92 = arith.xori %or3A_91, %add3A_84 : vector<16x2048xi32>
      %add3A_93 = arith.constant 466689008 : i32
      %add3A_94 = vector.broadcast %add3A_93 : i32 to vector<16x2048xi32>
      %add3A_95 = arith.addi %add3A_84, %add3A_94 : vector<16x2048xi32>
      %add3A_96 = arith.constant 2 : i32
      %add3A_97 = vector.broadcast %add3A_96 : i32 to vector<16x2048xi32>
      %add3A_98 = arith.addi %xor3A_92, %add3A_97 : vector<16x2048xi32>
      %add3A_99 = arith.addi %add3A_95, %add3A_98 : vector<16x2048xi32>
      %shift_left3A_100 = arith.constant 13 : i32
      %shift_left3A_101 = vector.broadcast %shift_left3A_100 : i32 to vector<16x2048xi32>
      %shift_left3A_102 = arith.shli %add3A_98, %shift_left3A_101 : vector<16x2048xi32>
      %shift_right_logical3A_103 = arith.constant 19 : i32
      %shift_right_logical3A_104 = vector.broadcast %shift_right_logical3A_103 : i32 to vector<16x2048xi32>
      %shift_right_logical3A_105 = arith.shrui %add3A_98, %shift_right_logical3A_104 : vector<16x2048xi32>
      %or3A_106 = arith.ori %shift_left3A_102, %shift_right_logical3A_105 : vector<16x2048xi32>
      %xor3A_107 = arith.xori %or3A_106, %add3A_99 : vector<16x2048xi32>
      %add3A_108 = arith.addi %add3A_99, %xor3A_107 : vector<16x2048xi32>
      %shift_left3A_109 = arith.constant 15 : i32
      %shift_left3A_110 = vector.broadcast %shift_left3A_109 : i32 to vector<16x2048xi32>
      %shift_left3A_111 = arith.shli %xor3A_107, %shift_left3A_110 : vector<16x2048xi32>
      %shift_right_logical3A_112 = arith.constant 17 : i32
      %shift_right_logical3A_113 = vector.broadcast %shift_right_logical3A_112 : i32 to vector<16x2048xi32>
      %shift_right_logical3A_114 = arith.shrui %xor3A_107, %shift_right_logical3A_113 : vector<16x2048xi32>
      %or3A_115 = arith.ori %shift_left3A_111, %shift_right_logical3A_114 : vector<16x2048xi32>
      %xor3A_116 = arith.xori %or3A_115, %add3A_108 : vector<16x2048xi32>
      %add3A_117 = arith.addi %add3A_108, %xor3A_116 : vector<16x2048xi32>
      %shift_left3A_118 = arith.constant 26 : i32
      %shift_left3A_119 = vector.broadcast %shift_left3A_118 : i32 to vector<16x2048xi32>
      %shift_left3A_120 = arith.shli %xor3A_116, %shift_left3A_119 : vector<16x2048xi32>
      %shift_right_logical3A_121 = arith.constant 6 : i32
      %shift_right_logical3A_122 = vector.broadcast %shift_right_logical3A_121 : i32 to vector<16x2048xi32>
      %shift_right_logical3A_123 = arith.shrui %xor3A_116, %shift_right_logical3A_122 : vector<16x2048xi32>
      %or3A_124 = arith.ori %shift_left3A_120, %shift_right_logical3A_123 : vector<16x2048xi32>
      %xor3A_125 = arith.xori %or3A_124, %add3A_117 : vector<16x2048xi32>
      %add3A_126 = arith.addi %add3A_117, %xor3A_125 : vector<16x2048xi32>
      %shift_left3A_127 = arith.constant 6 : i32
      %shift_left3A_128 = vector.broadcast %shift_left3A_127 : i32 to vector<16x2048xi32>
      %shift_left3A_129 = arith.shli %xor3A_125, %shift_left3A_128 : vector<16x2048xi32>
      %shift_right_logical3A_130 = arith.constant 26 : i32
      %shift_right_logical3A_131 = vector.broadcast %shift_right_logical3A_130 : i32 to vector<16x2048xi32>
      %shift_right_logical3A_132 = arith.shrui %xor3A_125, %shift_right_logical3A_131 : vector<16x2048xi32>
      %or3A_133 = arith.ori %shift_left3A_129, %shift_right_logical3A_132 : vector<16x2048xi32>
      %xor3A_134 = arith.xori %or3A_133, %add3A_126 : vector<16x2048xi32>
      %add3A_135 = arith.constant 0 : i32
      %add3A_136 = vector.broadcast %add3A_135 : i32 to vector<16x2048xi32>
      %add3A_137 = arith.addi %add3A_126, %add3A_136 : vector<16x2048xi32>
      %add3A_138 = arith.constant 45 : i32
      %add3A_139 = vector.broadcast %add3A_138 : i32 to vector<16x2048xi32>
      %add3A_140 = arith.addi %xor3A_134, %add3A_139 : vector<16x2048xi32>
      %add3A_141 = arith.addi %add3A_137, %add3A_140 : vector<16x2048xi32>
      %shift_left3A_142 = arith.constant 17 : i32
      %shift_left3A_143 = vector.broadcast %shift_left3A_142 : i32 to vector<16x2048xi32>
      %shift_left3A_144 = arith.shli %add3A_140, %shift_left3A_143 : vector<16x2048xi32>
      %shift_right_logical3A_145 = arith.constant 15 : i32
      %shift_right_logical3A_146 = vector.broadcast %shift_right_logical3A_145 : i32 to vector<16x2048xi32>
      %shift_right_logical3A_147 = arith.shrui %add3A_140, %shift_right_logical3A_146 : vector<16x2048xi32>
      %or3A_148 = arith.ori %shift_left3A_144, %shift_right_logical3A_147 : vector<16x2048xi32>
      %xor3A_149 = arith.xori %or3A_148, %add3A_141 : vector<16x2048xi32>
      %add3A_150 = arith.addi %add3A_141, %xor3A_149 : vector<16x2048xi32>
      %shift_left3A_151 = arith.constant 29 : i32
      %shift_left3A_152 = vector.broadcast %shift_left3A_151 : i32 to vector<16x2048xi32>
      %shift_left3A_153 = arith.shli %xor3A_149, %shift_left3A_152 : vector<16x2048xi32>
      %shift_right_logical3A_154 = arith.constant 3 : i32
      %shift_right_logical3A_155 = vector.broadcast %shift_right_logical3A_154 : i32 to vector<16x2048xi32>
      %shift_right_logical3A_156 = arith.shrui %xor3A_149, %shift_right_logical3A_155 : vector<16x2048xi32>
      %or3A_157 = arith.ori %shift_left3A_153, %shift_right_logical3A_156 : vector<16x2048xi32>
      %xor3A_158 = arith.xori %or3A_157, %add3A_150 : vector<16x2048xi32>
      %add3A_159 = arith.addi %add3A_150, %xor3A_158 : vector<16x2048xi32>
      %shift_left3A_160 = arith.constant 16 : i32
      %shift_left3A_161 = vector.broadcast %shift_left3A_160 : i32 to vector<16x2048xi32>
      %shift_left3A_162 = arith.shli %xor3A_158, %shift_left3A_161 : vector<16x2048xi32>
      %shift_right_logical3A_163 = arith.constant 16 : i32
      %shift_right_logical3A_164 = vector.broadcast %shift_right_logical3A_163 : i32 to vector<16x2048xi32>
      %shift_right_logical3A_165 = arith.shrui %xor3A_158, %shift_right_logical3A_164 : vector<16x2048xi32>
      %or3A_166 = arith.ori %shift_left3A_162, %shift_right_logical3A_165 : vector<16x2048xi32>
      %xor3A_167 = arith.xori %or3A_166, %add3A_159 : vector<16x2048xi32>
      %add3A_168 = arith.addi %add3A_159, %xor3A_167 : vector<16x2048xi32>
      %shift_left3A_169 = arith.constant 24 : i32
      %shift_left3A_170 = vector.broadcast %shift_left3A_169 : i32 to vector<16x2048xi32>
      %shift_left3A_171 = arith.shli %xor3A_167, %shift_left3A_170 : vector<16x2048xi32>
      %shift_right_logical3A_172 = arith.constant 8 : i32
      %shift_right_logical3A_173 = vector.broadcast %shift_right_logical3A_172 : i32 to vector<16x2048xi32>
      %shift_right_logical3A_174 = arith.shrui %xor3A_167, %shift_right_logical3A_173 : vector<16x2048xi32>
      %or3A_175 = arith.ori %shift_left3A_171, %shift_right_logical3A_174 : vector<16x2048xi32>
      %xor3A_176 = arith.xori %or3A_175, %add3A_168 : vector<16x2048xi32>
      %add3A_177 = arith.constant 42 : i32
      %add3A_178 = vector.broadcast %add3A_177 : i32 to vector<16x2048xi32>
      %add3A_179 = arith.addi %add3A_168, %add3A_178 : vector<16x2048xi32>
      %add3A_180 = arith.constant 466689012 : i32
      %add3A_181 = vector.broadcast %add3A_180 : i32 to vector<16x2048xi32>
      %add3A_182 = arith.addi %xor3A_176, %add3A_181 : vector<16x2048xi32>
      %add3A_183 = arith.addi %add3A_179, %add3A_182 : vector<16x2048xi32>
      %shift_left3A_184 = arith.constant 13 : i32
      %shift_left3A_185 = vector.broadcast %shift_left3A_184 : i32 to vector<16x2048xi32>
      %shift_left3A_186 = arith.shli %add3A_182, %shift_left3A_185 : vector<16x2048xi32>
      %shift_right_logical3A_187 = arith.constant 19 : i32
      %shift_right_logical3A_188 = vector.broadcast %shift_right_logical3A_187 : i32 to vector<16x2048xi32>
      %shift_right_logical3A_189 = arith.shrui %add3A_182, %shift_right_logical3A_188 : vector<16x2048xi32>
      %or3A_190 = arith.ori %shift_left3A_186, %shift_right_logical3A_189 : vector<16x2048xi32>
      %xor3A_191 = arith.xori %or3A_190, %add3A_183 : vector<16x2048xi32>
      %add3A_192 = arith.addi %add3A_183, %xor3A_191 : vector<16x2048xi32>
      %shift_left3A_193 = arith.constant 15 : i32
      %shift_left3A_194 = vector.broadcast %shift_left3A_193 : i32 to vector<16x2048xi32>
      %shift_left3A_195 = arith.shli %xor3A_191, %shift_left3A_194 : vector<16x2048xi32>
      %shift_right_logical3A_196 = arith.constant 17 : i32
      %shift_right_logical3A_197 = vector.broadcast %shift_right_logical3A_196 : i32 to vector<16x2048xi32>
      %shift_right_logical3A_198 = arith.shrui %xor3A_191, %shift_right_logical3A_197 : vector<16x2048xi32>
      %or3A_199 = arith.ori %shift_left3A_195, %shift_right_logical3A_198 : vector<16x2048xi32>
      %xor3A_200 = arith.xori %or3A_199, %add3A_192 : vector<16x2048xi32>
      %add3A_201 = arith.addi %add3A_192, %xor3A_200 : vector<16x2048xi32>
      %shift_left3A_202 = arith.constant 26 : i32
      %shift_left3A_203 = vector.broadcast %shift_left3A_202 : i32 to vector<16x2048xi32>
      %shift_left3A_204 = arith.shli %xor3A_200, %shift_left3A_203 : vector<16x2048xi32>
      %shift_right_logical3A_205 = arith.constant 6 : i32
      %shift_right_logical3A_206 = vector.broadcast %shift_right_logical3A_205 : i32 to vector<16x2048xi32>
      %shift_right_logical3A_207 = arith.shrui %xor3A_200, %shift_right_logical3A_206 : vector<16x2048xi32>
      %or3A_208 = arith.ori %shift_left3A_204, %shift_right_logical3A_207 : vector<16x2048xi32>
      %xor3A_209 = arith.xori %or3A_208, %add3A_201 : vector<16x2048xi32>
      %add3A_210 = arith.addi %add3A_201, %xor3A_209 : vector<16x2048xi32>
      %shift_left3A_211 = arith.constant 6 : i32
      %shift_left3A_212 = vector.broadcast %shift_left3A_211 : i32 to vector<16x2048xi32>
      %shift_left3A_213 = arith.shli %xor3A_209, %shift_left3A_212 : vector<16x2048xi32>
      %shift_right_logical3A_214 = arith.constant 26 : i32
      %shift_right_logical3A_215 = vector.broadcast %shift_right_logical3A_214 : i32 to vector<16x2048xi32>
      %shift_right_logical3A_216 = arith.shrui %xor3A_209, %shift_right_logical3A_215 : vector<16x2048xi32>
      %or3A_217 = arith.ori %shift_left3A_213, %shift_right_logical3A_216 : vector<16x2048xi32>
      %xor3A_218 = arith.xori %or3A_217, %add3A_210 : vector<16x2048xi32>
      %add3A_219 = arith.constant 466689008 : i32
      %add3A_220 = vector.broadcast %add3A_219 : i32 to vector<16x2048xi32>
      %add3A_221 = arith.addi %add3A_210, %add3A_220 : vector<16x2048xi32>
      %add3A_222 = arith.constant 5 : i32
      %add3A_223 = vector.broadcast %add3A_222 : i32 to vector<16x2048xi32>
      %add3A_224 = arith.addi %xor3A_218, %add3A_223 : vector<16x2048xi32>
      %xor3A_225 = arith.xori %add3A_221, %add3A_224 : vector<16x2048xi32>
      %shift_right_logical3A_226 = arith.constant 9 : i32
      %shift_right_logical3A_227 = vector.broadcast %shift_right_logical3A_226 : i32 to vector<16x2048xi32>
      %shift_right_logical3A_228 = arith.shrui %xor3A_225, %shift_right_logical3A_227 : vector<16x2048xi32>
      %or3A_229 = arith.constant 1065353216 : i32
      %or3A_230 = vector.broadcast %or3A_229 : i32 to vector<16x2048xi32>
      %or3A_231 = arith.ori %shift_right_logical3A_228, %or3A_230 : vector<16x2048xi32>
      %bitcast_convert_type3A = tpu.bitcast %or3A_231 : vector<16x2048xi32> -> vector<16x2048xf32>
      %sub3A = arith.constant 1.000000e+00 : f32
      %sub3A_232 = vector.broadcast %sub3A : f32 to vector<16x2048xf32>
      %sub3A_233 = arith.subf %bitcast_convert_type3A, %sub3A_232 : vector<16x2048xf32>
      %mul3A_234 = arith.constant 2.000000e+00 : f32
      %mul3A_235 = vector.broadcast %mul3A_234 : f32 to vector<16x2048xf32>
      %mul3A_236 = arith.mulf %sub3A_233, %mul3A_235 : vector<16x2048xf32>
      %add3A_237 = arith.constant -0.99999994 : f32
      %add3A_238 = vector.broadcast %add3A_237 : f32 to vector<16x2048xf32>
      %add3A_239 = arith.addf %mul3A_236, %add3A_238 : vector<16x2048xf32>
      %neg3A = arith.constant 0.000000e+00 : f32
      %neg3A_240 = vector.broadcast %neg3A : f32 to vector<16x2048xf32>
      %neg3A_241 = arith.subf %neg3A_240, %add3A_239 : vector<16x2048xf32>
      %mul3A_242 = arith.mulf %neg3A_241, %add3A_239 : vector<16x2048xf32>
      %log1p3A = math.log1p %mul3A_242 : vector<16x2048xf32>
      %neg3A_243 = arith.constant 0.000000e+00 : f32
      %neg3A_244 = vector.broadcast %neg3A_243 : f32 to vector<16x2048xf32>
      %neg3A_245 = arith.subf %neg3A_244, %log1p3A : vector<16x2048xf32>
      %lt3A = arith.constant 5.000000e+00 : f32
      %lt3A_246 = vector.broadcast %lt3A : f32 to vector<16x2048xf32>
      %lt3A_247 = arith.cmpf olt, %neg3A_245, %lt3A_246 : vector<16x2048xf32>
      %sub3A_248 = arith.constant 2.500000e+00 : f32
      %sub3A_249 = vector.broadcast %sub3A_248 : f32 to vector<16x2048xf32>
      %sub3A_250 = arith.subf %neg3A_245, %sub3A_249 : vector<16x2048xf32>
      %sqrt3A = math.sqrt %neg3A_245 : vector<16x2048xf32>
      %sub3A_251 = arith.constant 3.000000e+00 : f32
      %sub3A_252 = vector.broadcast %sub3A_251 : f32 to vector<16x2048xf32>
      %sub3A_253 = arith.subf %sqrt3A, %sub3A_252 : vector<16x2048xf32>
      %select_n3A = arith.select %lt3A_247, %sub3A_250, %sub3A_253 : vector<16x2048xi1>, vector<16x2048xf32>
      %jit3A = arith.constant 2.81022636E-8 : f32
      %jit3A_254 = arith.constant -2.00214257E-4 : f32
      %broadcast_in_dim3A_255 = vector.broadcast %jit3A : f32 to vector<16x2048xf32>
      %broadcast_in_dim3A_256 = vector.broadcast %jit3A_254 : f32 to vector<16x2048xf32>
      %select_n3A_257 = arith.select %lt3A_247, %broadcast_in_dim3A_255, %broadcast_in_dim3A_256 : vector<16x2048xi1>, vector<16x2048xf32>
      %jit3A_258 = arith.constant 3.43273939E-7 : f32
      %jit3A_259 = arith.constant 1.00950558E-4 : f32
      %broadcast_in_dim3A_260 = vector.broadcast %jit3A_258 : f32 to vector<16x2048xf32>
      %broadcast_in_dim3A_261 = vector.broadcast %jit3A_259 : f32 to vector<16x2048xf32>
      %select_n3A_262 = arith.select %lt3A_247, %broadcast_in_dim3A_260, %broadcast_in_dim3A_261 : vector<16x2048xi1>, vector<16x2048xf32>
      %mul3A_263 = arith.mulf %select_n3A_257, %select_n3A : vector<16x2048xf32>
      %add3A_264 = arith.addf %mul3A_263, %select_n3A_262 : vector<16x2048xf32>
      %jit3A_265 = arith.constant -3.5233877E-6 : f32
      %jit3A_266 = arith.constant 0.00134934322 : f32
      %broadcast_in_dim3A_267 = vector.broadcast %jit3A_265 : f32 to vector<16x2048xf32>
      %broadcast_in_dim3A_268 = vector.broadcast %jit3A_266 : f32 to vector<16x2048xf32>
      %select_n3A_269 = arith.select %lt3A_247, %broadcast_in_dim3A_267, %broadcast_in_dim3A_268 : vector<16x2048xi1>, vector<16x2048xf32>
      %mul3A_270 = arith.mulf %add3A_264, %select_n3A : vector<16x2048xf32>
      %add3A_271 = arith.addf %mul3A_270, %select_n3A_269 : vector<16x2048xf32>
      %jit3A_272 = arith.constant -4.39150654E-6 : f32
      %jit3A_273 = arith.constant -0.00367342844 : f32
      %broadcast_in_dim3A_274 = vector.broadcast %jit3A_272 : f32 to vector<16x2048xf32>
      %broadcast_in_dim3A_275 = vector.broadcast %jit3A_273 : f32 to vector<16x2048xf32>
      %select_n3A_276 = arith.select %lt3A_247, %broadcast_in_dim3A_274, %broadcast_in_dim3A_275 : vector<16x2048xi1>, vector<16x2048xf32>
      %mul3A_277 = arith.mulf %add3A_271, %select_n3A : vector<16x2048xf32>
      %add3A_278 = arith.addf %mul3A_277, %select_n3A_276 : vector<16x2048xf32>
      %jit3A_279 = arith.constant 2.1858087E-4 : f32
      %jit3A_280 = arith.constant 0.00573950773 : f32
      %broadcast_in_dim3A_281 = vector.broadcast %jit3A_279 : f32 to vector<16x2048xf32>
      %broadcast_in_dim3A_282 = vector.broadcast %jit3A_280 : f32 to vector<16x2048xf32>
      %select_n3A_283 = arith.select %lt3A_247, %broadcast_in_dim3A_281, %broadcast_in_dim3A_282 : vector<16x2048xi1>, vector<16x2048xf32>
      %mul3A_284 = arith.mulf %add3A_278, %select_n3A : vector<16x2048xf32>
      %add3A_285 = arith.addf %mul3A_284, %select_n3A_283 : vector<16x2048xf32>
      %jit3A_286 = arith.constant -0.00125372503 : f32
      %jit3A_287 = arith.constant -0.0076224613 : f32
      %broadcast_in_dim3A_288 = vector.broadcast %jit3A_286 : f32 to vector<16x2048xf32>
      %broadcast_in_dim3A_289 = vector.broadcast %jit3A_287 : f32 to vector<16x2048xf32>
      %select_n3A_290 = arith.select %lt3A_247, %broadcast_in_dim3A_288, %broadcast_in_dim3A_289 : vector<16x2048xi1>, vector<16x2048xf32>
      %mul3A_291 = arith.mulf %add3A_285, %select_n3A : vector<16x2048xf32>
      %add3A_292 = arith.addf %mul3A_291, %select_n3A_290 : vector<16x2048xf32>
      %jit3A_293 = arith.constant -0.00417768164 : f32
      %jit3A_294 = arith.constant 0.00943887047 : f32
      %broadcast_in_dim3A_295 = vector.broadcast %jit3A_293 : f32 to vector<16x2048xf32>
      %broadcast_in_dim3A_296 = vector.broadcast %jit3A_294 : f32 to vector<16x2048xf32>
      %select_n3A_297 = arith.select %lt3A_247, %broadcast_in_dim3A_295, %broadcast_in_dim3A_296 : vector<16x2048xi1>, vector<16x2048xf32>
      %mul3A_298 = arith.mulf %add3A_292, %select_n3A : vector<16x2048xf32>
      %add3A_299 = arith.addf %mul3A_298, %select_n3A_297 : vector<16x2048xf32>
      %jit3A_300 = arith.constant 0.246640727 : f32
      %jit3A_301 = arith.constant 1.00167406 : f32
      %broadcast_in_dim3A_302 = vector.broadcast %jit3A_300 : f32 to vector<16x2048xf32>
      %broadcast_in_dim3A_303 = vector.broadcast %jit3A_301 : f32 to vector<16x2048xf32>
      %select_n3A_304 = arith.select %lt3A_247, %broadcast_in_dim3A_302, %broadcast_in_dim3A_303 : vector<16x2048xi1>, vector<16x2048xf32>
      %mul3A_305 = arith.mulf %add3A_299, %select_n3A : vector<16x2048xf32>
      %add3A_306 = arith.addf %mul3A_305, %select_n3A_304 : vector<16x2048xf32>
      %jit3A_307 = arith.constant 1.50140941 : f32
      %jit3A_308 = arith.constant 2.83297682 : f32
      %broadcast_in_dim3A_309 = vector.broadcast %jit3A_307 : f32 to vector<16x2048xf32>
      %broadcast_in_dim3A_310 = vector.broadcast %jit3A_308 : f32 to vector<16x2048xf32>
      %select_n3A_311 = arith.select %lt3A_247, %broadcast_in_dim3A_309, %broadcast_in_dim3A_310 : vector<16x2048xi1>, vector<16x2048xf32>
      %mul3A_312 = arith.mulf %add3A_306, %select_n3A : vector<16x2048xf32>
      %add3A_313 = arith.addf %mul3A_312, %select_n3A_311 : vector<16x2048xf32>
      %mul3A_314 = arith.mulf %add3A_313, %add3A_239 : vector<16x2048xf32>
      %mul3A_315 = arith.constant 2048 : i32
      %mul3A_316 = arith.muli %scan3A_9, %mul3A_315 : i32
      %swap3A = arith.constant 0 : index
      %swap3A_317 = arith.constant 0 : index
      %swap3A_318 = arith.index_cast %mul3A_316 : i32 to index
      %swap3A_319 = vector.load %arg1[%swap3A, %swap3A_317, %swap3A_318] : memref<1x16x16384xf32, #tpu.memory_space<vmem>>, vector<1x16x2048xf32>
      %swap3A_320 = vector.shape_cast %swap3A_319 : vector<1x16x2048xf32> to vector<16x2048xf32>
      %swap3A_321 = vector.shape_cast %mul3A_314 : vector<16x2048xf32> to vector<1x16x2048xf32>
      tpu.vector_store %arg1[%swap3A, %swap3A_317, %swap3A_318], %swap3A_321 {strides = array<i32>} : memref<1x16x16384xf32, #tpu.memory_space<vmem>>, vector<1x16x2048xf32>,
    }
    %scan3A_8 = arith.constant 8 : i32
    return
  }
  func.func @transform_0(%arg0: i32) -> (i32, i32, i32) {
    %c0_i32 = arith.constant 0 : i32
    %c0_i32_0 = arith.constant 0 : i32
    %c0_i32_1 = arith.constant 0 : i32
    return %arg0, %c0_i32, %c0_i32_0 : i32, i32, i32
  }
}

module attributes {stable_mosaic.version = 14 : i64} {
  func.func @_tc_fma_body(%arg0: i32, %arg1: memref<16x16384xf32, #tpu.memory_space<vmem>>, %arg2: memref<16x16384xf32, #tpu.memory_space<vmem>>, %arg3: memref<1x16x16384xf32, #tpu.memory_space<vmem>>, %arg4: memref<1x16x16384xf32, #tpu.memory_space<vmem>>, %arg5: memref<16x16384xf32, #tpu.memory_space<vmem>>) attributes {dimension_semantics = [#tpu.dimension_semantics<arbitrary>], iteration_bounds = array<i64: 25>, scalar_prefetch = 0 : i64, scratch_operands = 1 : i64, tpu.core_type = #tpu.core_type<tc>, window_params = [{pipeline_mode = #tpu.pipeline_mode<synchronous>, transform_indices = @transform_0, window_bounds = array<i64: 16, 16384>}, {pipeline_mode = #tpu.pipeline_mode<synchronous>, transform_indices = @transform_1, window_bounds = array<i64: 16, 16384>}, {transform_indices = @transform_2, window_bounds = array<i64: 1, 16, 16384>}, {transform_indices = @transform_3, window_bounds = array<i64: 1, 16, 16384>}]} {
    %eq3A = arith.constant 0 : i32
    %eq3A_0 = arith.cmpi eq, %arg0, %eq3A : i32
    %convert_element_type3A = arith.extui %eq3A_0 : i1 to i32
    %cond3A = arith.constant 0 : i32
    %cond3A_1 = arith.cmpi ne, %convert_element_type3A, %cond3A : i32
    scf.if %cond3A_1 {
      %get3A_17 = arith.constant 0 : index
      %get3A_18 = arith.constant 0 : index
      %get3A_19 = vector.load %arg2[%get3A_17, %get3A_18] : memref<16x16384xf32, #tpu.memory_space<vmem>>, vector<16x16384xf32>
      %abs3A = math.absf %get3A_19 : vector<16x16384xf32>
      %neg3A = arith.constant 0.000000e+00 : f32
      %neg3A_20 = vector.broadcast %neg3A : f32 to vector<16x16384xf32>
      %neg3A_21 = arith.subf %neg3A_20, %abs3A : vector<16x16384xf32>
      %exp3A = math.exp %neg3A_21 : vector<16x16384xf32>
      %log1p3A = math.log1p %exp3A : vector<16x16384xf32>
      %max3A = arith.constant 0.000000e+00 : f32
      %max3A_22 = vector.broadcast %max3A : f32 to vector<16x16384xf32>
      %max3A_23 = arith.maximumf %get3A_19, %max3A_22 : vector<16x16384xf32>
      %add3A_24 = arith.addf %log1p3A, %max3A_23 : vector<16x16384xf32>
      %mul3A_25 = arith.constant 1.41421354 : f32
      %mul3A_26 = vector.broadcast %mul3A_25 : f32 to vector<16x16384xf32>
      %mul3A_27 = arith.mulf %add3A_24, %mul3A_26 : vector<16x16384xf32>
      %swap3A_28 = arith.constant 0 : index
      %swap3A_29 = arith.constant 0 : index
      %swap3A_30 = vector.load %arg5[%swap3A_28, %swap3A_29] : memref<16x16384xf32, #tpu.memory_space<vmem>>, vector<16x16384xf32>
      tpu.vector_store %arg5[%swap3A_28, %swap3A_29], %mul3A_27 {strides = array<i32>} : memref<16x16384xf32, #tpu.memory_space<vmem>>, vector<16x16384xf32>,
    } else {
    }
    %get3A = arith.constant 0 : index
    %get3A_2 = arith.constant 0 : index
    %get3A_3 = vector.load %arg1[%get3A, %get3A_2] : memref<16x16384xf32, #tpu.memory_space<vmem>>, vector<16x16384xf32>
    %get3A_4 = arith.constant 0 : index
    %get3A_5 = arith.constant 0 : index
    %get3A_6 = vector.load %arg5[%get3A_4, %get3A_5] : memref<16x16384xf32, #tpu.memory_space<vmem>>, vector<16x16384xf32>
    %get3A_7 = arith.constant 0 : index
    %get3A_8 = arith.constant 0 : index
    %get3A_9 = arith.constant 0 : index
    %get3A_10 = vector.load %arg3[%get3A_7, %get3A_8, %get3A_9] : memref<1x16x16384xf32, #tpu.memory_space<vmem>>, vector<1x16x16384xf32>
    %get3A_11 = vector.shape_cast %get3A_10 : vector<1x16x16384xf32> to vector<16x16384xf32>
    %mul3A = arith.mulf %get3A_6, %get3A_11 : vector<16x16384xf32>
    %add3A = arith.addf %get3A_3, %mul3A : vector<16x16384xf32>
    %swap3A = arith.constant 0 : index
    %swap3A_12 = arith.constant 0 : index
    %swap3A_13 = arith.constant 0 : index
    %swap3A_14 = vector.load %arg4[%swap3A, %swap3A_12, %swap3A_13] : memref<1x16x16384xf32, #tpu.memory_space<vmem>>, vector<1x16x16384xf32>
    %swap3A_15 = vector.shape_cast %swap3A_14 : vector<1x16x16384xf32> to vector<16x16384xf32>
    %swap3A_16 = vector.shape_cast %add3A : vector<16x16384xf32> to vector<1x16x16384xf32>
    tpu.vector_store %arg4[%swap3A, %swap3A_12, %swap3A_13], %swap3A_16 {strides = array<i32>} : memref<1x16x16384xf32, #tpu.memory_space<vmem>>, vector<1x16x16384xf32>,
    return
  }
  func.func @transform_0(%arg0: i32) -> (i32, i32) {
    %c0_i32 = arith.constant 0 : i32
    %c0_i32_0 = arith.constant 0 : i32
    %c0_i32_1 = arith.constant 0 : i32
    return %c0_i32, %c0_i32_0 : i32, i32
  }
  func.func @transform_1(%arg0: i32) -> (i32, i32) {
    %c0_i32 = arith.constant 0 : i32
    %c0_i32_0 = arith.constant 0 : i32
    %c0_i32_1 = arith.constant 0 : i32
    return %c0_i32, %c0_i32_0 : i32, i32
  }
  func.func @transform_2(%arg0: i32) -> (i32, i32, i32) {
    %c0_i32 = arith.constant 0 : i32
    %c0_i32_0 = arith.constant 0 : i32
    %c0_i32_1 = arith.constant 0 : i32
    return %arg0, %c0_i32, %c0_i32_0 : i32, i32, i32
  }
  func.func @transform_3(%arg0: i32) -> (i32, i32, i32) {
    %c0_i32 = arith.constant 0 : i32
    %c0_i32_0 = arith.constant 0 : i32
    %c0_i32_1 = arith.constant 0 : i32
    return %arg0, %c0_i32, %c0_i32_0 : i32, i32, i32
  }
}

</mosaic_0001>

<sc_bundles>
// kernel: kernel.5.cloned.1.call-start
scs
__scs_entry_jumppad:
0x0: {  	(pc) =	sbr.rel $0x88, $3  }
0x1: {  	(tag) =	ssettag $0x0;
	lr =	simm.s32 $0x1  }
0x2: {  	[smem:$0x3F9E] =	sst lr;
	_ =	strace $0xD0000000  }
0x3: {  	_ = 	snop  }
0x4: {  	_ = 	snop  }
0x5: {  	_ = 	snop  }
0x6: {  	_ = 	snop  }
0x7: {  	_ = 	snop  }
__scs_overlays_trampoline_lowered:
0x8: {  	[smem:$0x3FAD] =	sst s0  }
0x9: {  	[smem:$0x3FAE] =	sst s1  }
0xa: {  	[smem:$0x3FAF] =	sst s2  }
0xb: {  	[smem:$0x3FB0] =	sst s3  }
0xc: {  	[smem:$0x3FB1] =	sst s4  }
0xd: {  	[smem:$0x3FB2] =	sst s5  }
0xe: {  	[smem:$0x3FB3] =	sst s6  }
0xf: {  	[smem:$0x3FB4] =	sst s7  }
0x10: {  	[smem:$0x3FB5] =	sst s8  }
0x11: {  	[smem:$0x3FB6] =	sst s9;
	s0 =	simm.s32 @!p0 $0x0  }
0x12: {  	s1 =	sld [smem:$0x3F9C];
	s0 =	simm.s32 @p0 $0x1  }
0x13: {  	[smem:$0x3FB7] =	sst s0;
	s0 =	simm.s32 @!p1 $0x0  }
0x14: {  	s2 =	sld [smem:$0x3F9B];
	s0 =	simm.s32 @p1 $0x1  }
0x15: {  	[smem:$0x3FB8] =	sst s0;
	s0 =	simm.s32 @!p2 $0x0  }
0x16: {  	s3 =	sld [smem:$0x3FDB];
	s0 =	simm.s32 @p2 $0x1  }
0x17: {  	s4 =	simm.s32 $0x1BF5;
	[smem:$0x3FBA] =	sst s0  }
0x18: {  	s0 =	sld [smem:$0x3F9D];
	_ =	swait.ge [sflag:s4], $0x0  }
0x19: {  	s7 =	sld [smem:$0x3F9E]  }
0x1a: {  	s8 =	sadd.s32 $0xFFFFE003, lr  }
0x1b: {  	s9 =	sadd.s32 $0xFFFFFEF7, lr;
	s5 =	simm.s32 $0xFFFFFFFF;
	p2 =	slt.u32 s8, $0xFFFFF086  }
0x1c: {  	p1 =	slt.u32 s9, $0xF7A;
	s5 =	simm.s32 @!p2 $0x0  }
0x1d: {  	s5 =	simm.s32 @p1 $0x1;
	p0 =	seq.s32 s7, s2  }
0x1e: {  	s7 =	smul.u32 @!p0 $0xF7A, s2;
	p2 =	seq.s32 @!p0 s5, $0x0  }
0x1f: {  	s9 =	smul.u32 $0xF7A, s1;
	s8 =	simm.s32 @!p0 $0x1BF5;
	p2 =	por !p2, p0  }
0x20: {  	[sflag:s8] =	ssyncset.s32 @!p0 $0xFFFFF086;
	s6 =	sadd.s32 @!p0 s3, s7;
	s7 =	simm.s32 @!p0 $0x108  }
0x21: {  	s3 =	sadd.s32 s3, s9;
	s6 =	sadd.s32 @!p0 $0x88, s6;
	s7 =	simm.s32 @p2 $0x1082  }
0x22: {  	[simem:s7], [sflag:s8] =	dma.local @!p0 [hbm:s6], $0xF7A  }
0x23: {  	s9 =	sor.u32 $0xD0000000, s2;
	s6 =	simm.s32 $0x108;
	_ =	swait.ge @!p0 [sflag:s8], $0x0  }
0x24: {  	s3 =	sadd.s32 $0x88, s3;
	s6 =	simm.s32 @!p1 $0x1082;
	[sflag:s4] =	ssyncset.s32 $0xFFFFF086  }
0x25: {  	[simem:s6], [sflag:s4] =	dma.local [hbm:s3], $0xF7A  }
0x26: {  	[smem:$0x3F9E] =	sst s1;
	(tag) =	ssettag s2;
	_ =	strace s9  }
0x27: {  	s1 =	sld [smem:$0x3FAE]  }
0x28: {  	s2 =	sld [smem:$0x3FAF]  }
0x29: {  	s4 =	sld [smem:$0x3FB1]  }
0x2a: {  	p0 =	seq.s32 s5, $0x0;
	s5 =	sld [smem:$0x3FB2]  }
0x2b: {  	s6 =	sld [smem:$0x3FB3]  }
0x2c: {  	s7 =	sld [smem:$0x3FB4]  }
0x2d: {  	s3 =	simm.s32 $0x108;
	s8 =	sld [smem:$0x3FB5]  }
0x2e: {  	s3 =	simm.s32 @!p0 $0x1082;
	s9 =	sld [smem:$0x3FB6]  }
0x2f: {  	lr =	sadd.s32 s0, s3;
	s0 =	sld [smem:$0x3FAD]  }
0x30: {  	s3 =	sld [smem:$0x3FB0]  }
0x31: {  	[smem:$0x3FB9] =	sst s10  }
0x32: {  	s10 =	sld [smem:$0x3FB7];
	_ =	sdelay $0x3  }
0x33: {  	p0 =	seq.s32 s10, $0x1;
	s10 =	sld [smem:$0x3FB9];
	_ =	sdelay $0x3  }
0x34: {  	[smem:$0x3FB9] =	sst s10  }
0x35: {  	s10 =	sld [smem:$0x3FB8];
	_ =	sdelay $0x3  }
0x36: {  	p1 =	seq.s32 s10, $0x1;
	s10 =	sld [smem:$0x3FB9];
	_ =	sdelay $0x3  }
0x37: {  	[smem:$0x3FB9] =	sst s10  }
0x38: {  	s10 =	sld [smem:$0x3FBA]  }
0x39: {  	_ = 	snop;
	(pc) =	sbr.ind lr, $3  }
0x3a: {  	_ = 	snop  }
0x3b: {  	_ = 	snop  }
0x3c: {  	p2 =	seq.s32 s10, $0x1;
	s10 =	sld [smem:$0x3FB9]  }
0x3d: {  	_ =	shalt  }
0x3e: {  	_ =	shalt  }
0x3f: {  	_ =	shalt  }
0x40: {  	_ =	shalt  }
0x41: {  	_ =	shalt  }
0x42: {  	_ =	shalt  }
0x43: {  	_ =	shalt  }
0x44: {  	_ =	shalt  }
0x45: {  	_ =	shalt  }
0x46: {  	_ =	shalt  }
0x47: {  	_ =	shalt  }
0x48: {  	_ =	shalt  }
0x49: {  	_ =	shalt  }
0x4a: {  	_ =	shalt  }
0x4b: {  	_ =	shalt  }
0x4c: {  	_ =	shalt  }
0x4d: {  	_ =	shalt  }
0x4e: {  	_ =	shalt  }
0x4f: {  	_ =	shalt  }
0x50: {  	_ =	shalt  }
0x51: {  	_ =	shalt  }
0x52: {  	_ =	shalt  }
0x53: {  	_ =	shalt  }
0x54: {  	_ =	shalt  }
0x55: {  	_ =	shalt  }
0x56: {  	_ =	shalt  }
0x57: {  	_ =	shalt  }
0x58: {  	_ =	shalt  }
0x59: {  	_ =	shalt  }
0x5a: {  	_ =	shalt  }
0x5b: {  	_ =	shalt  }
0x5c: {  	_ =	shalt  }
0x5d: {  	_ =	shalt  }
0x5e: {  	_ =	shalt  }
0x5f: {  	_ =	shalt  }
0x60: {  	_ =	shalt  }
0x61: {  	_ =	shalt  }
0x62: {  	_ =	shalt  }
0x63: {  	_ =	shalt  }
0x64: {  	_ =	shalt  }
0x65: {  	_ =	shalt  }
0x66: {  	_ =	shalt  }
0x67: {  	_ =	shalt  }
0x68: {  	_ =	shalt  }
0x69: {  	_ =	shalt  }
0x6a: {  	_ =	shalt  }
0x6b: {  	_ =	shalt  }
0x6c: {  	_ =	shalt  }
0x6d: {  	_ =	shalt  }
0x6e: {  	_ =	shalt  }
0x6f: {  	_ =	shalt  }
0x70: {  	_ =	shalt  }
0x71: {  	_ =	shalt  }
0x72: {  	_ =	shalt  }
0x73: {  	_ =	shalt  }
0x74: {  	_ =	shalt  }
0x75: {  	_ =	shalt  }
0x76: {  	_ =	shalt  }
0x77: {  	_ =	shalt  }
0x78: {  	_ =	shalt  }
0x79: {  	_ =	shalt  }
0x7a: {  	_ =	shalt  }
0x7b: {  	_ =	shalt  }
0x7c: {  	_ =	shalt  }
0x7d: {  	_ =	shalt  }
0x7e: {  	_ =	shalt  }
0x7f: {  	_ =	shalt  }
0x80: {  	_ =	shalt  }
0x81: {  	_ =	shalt  }
0x82: {  	_ =	shalt  }
0x83: {  	_ =	shalt  }
0x84: {  	_ =	shalt  }
0x85: {  	_ =	shalt  }
0x86: {  	_ =	shalt  }
0x87: {  	_ =	shalt  }
.Lfunc_end0:
.L_simem_size_0:
called_computation_lowered:
.L_overlay_start_0:
0x88: {  	s2 =	sld [smem:$0x3FD9]  }
0x89: {  	s3 =	sld [smem:$0x3FFE];
	_ =	sdelay $0x1  }
0x8a: {  	s1 =	srdreg.scid  }
0x8b: {  	s0 =	sand.u32 $0x1, s1  }
0x8c: {  	s17 =	sshll.u32 s0, $0xA;
	s2 =	sadd.s32 s3, s2  }
0x8d: {  	s2 =	sadd.s32 s2, s17  }
0x8e: {  	[smem:$0x3FC5] =	sst s2  }
0x8f: {  	_ = 	snop  }
0x90: {  	s2 =	sld [smem:$0x3FC9];
	(tm) =	ssettm $0x1  }
0x91: {  	s18 =	sld [smem:$0x3FFB];
	_ =	sdelay $0x3  }
0x92: {  	_ =	strace s18  }
0x93: {  	s3 =	sld [smem:$0x3FFC];
	_ =	sdelay $0x3  }
0x94: {  	_ =	strace s3  }
0x95: {  	s3 =	sld [smem:$0x3FFD];
	_ =	sdelay $0x3  }
0x96: {  	_ =	strace s3  }
0x97: {  	_ =	strace $0x8FFFFFFF  }
0x98: {  	s19 =	sld [smem:$0x3FDB];
	_ =	sdelay $0x1  }
0x99: {  	s4 =	simm.s32 $_scs_section_size  }
0x9a: {  	s5 =	simm.s32 $_size__tile_overlayer_lowered;
	s6 =	simm.s32 $_tile_overlayer_lowered  }
0x9b: {  	s22 =	simm.s32 $0x1BFF;
	s21 =	sshll.u32 s6, $0x1;
	s3 =	sadd.s32 s4, s19  }
0x9c: {  	s7 =	simm.s32 $0x0;
	s20 =	sshll.u32 s5, $0x1;
	s5 =	sadd.s32 s21, s3  }
0x9d: {  	[timem:s7], [sflag:s22] =	dma.local [hbm:s5], s20  }
0x9e: {  	_ =	swait.ge [sflag:s22], s20  }
0x9f: {  	s4 =	ssub.s32 $0x0, s20;
	[sflag:s22] =	ssyncset.done $0x0  }
0xa0: {  	[sflag:s22] =	ssyncadd.s32 s4;
	_ =	sdelay $0x1  }
0xa1: {  	s23 =	simm.s32 $0x1B8B  }
0xa2: {  	_ =	swait.ge [sflag:s23], $0x1  }
0xa3: {  	[sflag:s23] =	ssyncset.done $0x0  }
0xa4: {  	s25 =	simm.s32 $0x1B8E;
	s24 =	sld [smem:$0x3FFE];
	[sflag:s23] =	ssyncadd.s32 $0xFFFFFFFF  }
0xa5: {  	s26 =	simm.s32 $execute0_lowered;
	[smem:$0x3FD2] =	sst s25  }
0xa6: {  	s5 =	sshll.u32 s26, $0x1;
	_ =	strace $0x80000046;
	[dreg:$0x1] =	wrdreg $0xFFFFFFFF  }
0xa7: {  	s28 =	simm.s32 $_size_execute0_lowered;
	s3 =	sadd.s32 s3, s5;
	[dreg:$0x0] =	wrdreg $0x0  }
0xa8: {  	s5 =	sshll.u32 s28, $0x1;
	[dreg:$0x2] =	wrdreg s3  }
0xa9: {  	[dreg:$0x3] =	wrdreg s5  }
0xaa: {  	[dreg:$0x4] =	wrdreg $0xC0  }
0xab: {  	_ =	task [dreg:s7], $0x5FFFF  }
0xac: {  	[dreg:$0x1] =	wrdreg $0xFFFFFFFF  }
0xad: {  	[dreg:$0x0] =	wrdreg $0x60  }
0xae: {  	[dreg:$0x2] =	wrdreg s2  }
0xaf: {  	[dreg:$0x3] =	wrdreg s24  }
0xb0: {  	[dreg:$0x4] =	wrdreg $0x9  }
0xb1: {  	_ =	task.clear_ibuf [dreg:s7], $0x5FFFF;
	_ =	strace $0x90000046  }
0xb2: {  	s29 =	simm.s32 $0x9;
	_ =	strace $0x80000048  }
0xb3: {  	_ =	swait.ge [sflag:s29], $0x1  }
0xb4: {  	[sflag:s29] =	ssyncadd.s32 $0xFFFFFFFF  }
0xb5: {  	_ =	strace $0x90000048  }
0xb6: {  	_ =	sfence  }
0xb7: {  	s30 =	sld [smem:$0x0];
	_ =	sdelay $0x2  }
0xb8: {  	s31 =	sshll.u32 s1, $0xD;
	s1 =	sshrl.u32 s1, $0x2  }
0xb9: {  	s3 =	sand.u32 $0x4000, s31;
	s1 =	sadd.s32 s1, s30  }
0xba: {  	s0 =	sor.u32 s3, s0;
	s1 =	sshll.u32 s1, $0x11  }
0xbb: {  	s0 =	sor.u32 s1, s0  }
0xbc: {  	s0 =	sadd.s32 $0x8F2B, s0  }
0xbd: {  	[sflag:s0] =	ssyncadd.remote.s32 $0x1  }
0xbe: {  	_ =	sfence.sel $0xFFFF  }
0xbf: {  	[dreg:$0x0] =	wrdreg $0xFFFFFFFF;
	(pc) =	sbr.abs _section_cstart, $3  }
0xc0: {  	[dreg:$0x1] =	wrdreg $0xFFFFFFFF  }
0xc1: {  	_ =	task.clear_ibuf [dreg:s7], $0x2FFFF;
	_ =	strace $0x9FFFFFFF  }
0xc2: {  	(tm) =	ssettm $0x7FFFFFFF  }
0xc3: {  	_ =	shalt  }
tec
execute0_lowered:
.L_overlay_start_1:
0x0: {  	(tag) =	ssettag $0x1  }
0x1: {  	s1 =	srdreg.scid  }
0x2: {  	s3 =	rddreg [dreg:$0x0];
	s0 =	stileid.u32;
	s19 =	sand.u32 $0x1, s1  }
0x3: {  	s20 =	rddreg [dreg:$0x1];
	s4 =	sshll.u32 s0, $0xA;
	s5 =	sshll.u32 s19, $0x9  }
0x4: {  	s2 =	simm.s32 $0x0;
	s1 =	rddreg [dreg:$0x2];
	s21 =	sor.u32 s5, s4  }
0x5: {  	[smem:$0x7FF] =	sst s2;
	s4 =	sshrl.u32 s21, $0x3  }
0x6: {  	_ =	strace $0x80000047;
	s4 =	sadd.s32 s3, s4;
	s3 =	simm.s32 $0x2  }
0x7: {  	[tilespmem:s2], [sflag:$0x2] =	stream.linear.gather [hbm4b:s4+s2], $0x200, $0x38;
	[tilespmem:$0x4200] =	vst v63  }
0x8: {  	_ =	swait.ge [sflag:s3], $0x200  }
0x9: {  	s6 =	simm.s32 $0x80;
	[sflag:s3] =	ssyncset.done $0x0  }
0xa: {  	s7 =	simm.s32 $0x200;
	s5 =	sadd.s32 $0x112B200, s20;
	[sflag:s3] =	ssyncadd.s32 $0xFFFFFE00  }
0xb: {  	[tilespmem:s7], [sflag:$0x1] =	stream.indirect.gather [hbm4b:s5+s6], $0x10, s2, s6, $0xb8;
	[tilespmem:$0x4200] =	vst v63  }
0xc: {  	s9 =	simm.s32 $0x2200;
	s8 =	sadd.s32 $0xF42C00, s20  }
0xd: {  	[tilespmem:s9], [sflag:$0x1] =	stream.indirect.gather [hbm4b:s8+s6], $0x10, s2, s6, $0xb8;
	[tilespmem:$0x4200] =	vst v63  }
0xe: {  	s10 =	simm.s32 $0xA00  }
0xf: {  	[tilespmem:s10], [sflag:$0x1] =	stream.indirect.gather [hbm4b:s5+s6], $0x10, s6, s6, $0xb8;
	[tilespmem:$0x4200] =	vst v63  }
0x10: {  	s11 =	simm.s32 $0x2A00  }
0x11: {  	[tilespmem:s11], [sflag:$0x1] =	stream.indirect.gather [hbm4b:s8+s6], $0x10, s6, s6, $0xb8;
	[tilespmem:$0x4200] =	vst v63  }
0x12: {  	s12 =	simm.s32 $0x100;
	s13 =	simm.s32 $0x1200  }
0x13: {  	[tilespmem:s13], [sflag:$0x1] =	stream.indirect.gather [hbm4b:s5+s6], $0x10, s12, s6, $0xb8;
	[tilespmem:$0x4200] =	vst v63  }
0x14: {  	s14 =	simm.s32 $0x3200  }
0x15: {  	[tilespmem:s14], [sflag:$0x1] =	stream.indirect.gather [hbm4b:s8+s6], $0x10, s12, s6, $0xb8;
	[tilespmem:$0x4200] =	vst v63  }
0x16: {  	s15 =	simm.s32 $0x180;
	s16 =	simm.s32 $0x1A00  }
0x17: {  	[tilespmem:s16], [sflag:$0x1] =	stream.indirect.gather [hbm4b:s5+s6], $0x10, s15, s6, $0xb8;
	[tilespmem:$0x4200] =	vst v63  }
0x18: {  	s17 =	simm.s32 $0x3A00;
	s18 =	simm.s32 $0x1  }
0x19: {  	[tilespmem:s17], [sflag:$0x1] =	stream.indirect.gather [hbm4b:s8+s6], $0x10, s15, s6, $0xb8;
	[tilespmem:$0x4200] =	vst v63  }
0x1a: {  	_ =	swait.ge [sflag:s18], $0x800  }
0x1b: {  	[sflag:s18] =	ssyncset.done $0x0  }
0x1c: {  	[sflag:s18] =	ssyncadd.s32 $0xFFFFF800  }
0x1d: {  	_ =	swait.ge [sflag:s18], $0x800  }
0x1e: {  	[sflag:s18] =	ssyncset.done $0x0  }
0x1f: {  	[sflag:s18] =	ssyncadd.s32 $0xFFFFF800  }
0x20: {  	_ =	swait.ge [sflag:s18], $0x800  }
0x21: {  	[sflag:s18] =	ssyncset.done $0x0  }
0x22: {  	[sflag:s18] =	ssyncadd.s32 $0xFFFFF800  }
0x23: {  	_ =	swait.ge [sflag:s18], $0x800  }
0x24: {  	[sflag:s18] =	ssyncset.done $0x0  }
0x25: {  	[sflag:s18] =	ssyncadd.s32 $0xFFFFF800  }
0x26: {  	_ =	swait.ge [sflag:s18], $0x800  }
0x27: {  	[sflag:s18] =	ssyncset.done $0x0  }
0x28: {  	[sflag:s18] =	ssyncadd.s32 $0xFFFFF800  }
0x29: {  	_ =	swait.ge [sflag:s18], $0x800  }
0x2a: {  	[sflag:s18] =	ssyncset.done $0x0  }
0x2b: {  	[sflag:s18] =	ssyncadd.s32 $0xFFFFF800  }
0x2c: {  	_ =	swait.ge [sflag:s18], $0x800  }
0x2d: {  	[sflag:s18] =	ssyncset.done $0x0  }
0x2e: {  	s31 =	ssub.s32 $0x2, s19;
	[sflag:s18] =	ssyncadd.s32 $0xFFFFF800  }
0x2f: {  	s22 =	sshrl.u32 s31, $0x1;
	s21 =	sshll.u32 s21, $0x1;
	_ =	swait.ge [sflag:s18], $0x800  }
0x30: {  	s20 =	sadd.s32 s21, s20;
	s21 =	ssub.s32 s31, s22;
	[sflag:s18] =	ssyncset.done $0x0  }
0x31: {  	s19 =	sadd.s32 $0x800, s20;
	s21 =	smax.u32 s21, $0x1;
	[sflag:s18] =	ssyncadd.s32 $0xFFFFF800  }
0x32: {  	[hbm4b:s19+s2] =	stream.linear.scatter [tilespmem:s7], [sflag:$0x2], $0x2000, $0x38;
	[tilespmem:$0x4200] =	vst v63  }
0x33: {  	p0 =	sne.s32 s21, $0x1;
	_ =	swait.ge [sflag:s3], $0x2000  }
.Ltmp0:
0x34: {  	[sflag:s3] =	ssyncset.done $0x0;
	(pc) =	sbr.rel @!p0 .LBB2_2-.Ltmp0, $4  }
0x35: {  	s20 =	sadd.s32 $0x8800, s20;
	[sflag:s3] =	ssyncadd.s32 $0xFFFFE000  }
0x36: {  	[hbm4b:s20+s2] =	stream.linear.scatter [tilespmem:s9], [sflag:$0x2], $0x2000, $0x38;
	[tilespmem:$0x4200] =	vst v63  }
0x37: {  	_ =	swait.ge [sflag:s3], $0x2000  }
0x38: {  	s21 =	sadd.s32 $0xFFFFFFFF, s21;
	[sflag:s3] =	ssyncset.done $0x0  }
.LBB2_1:
0x39: {  	p0 =	sne.s32 s21, $0x1;
	s21 =	sadd.s32 $0xFFFFFFFF, s21;
	[sflag:s3] =	ssyncadd.s32 $0xFFFFE000  }
0x3a: {  	[tilespmem:s2], [sflag:$0x2] =	stream.linear.gather [hbm4b:s4+s2], $0x200, $0x38;
	[tilespmem:$0x4200] =	vst v63  }
0x3b: {  	_ =	swait.ge [sflag:s3], $0x200  }
0x3c: {  	[sflag:s3] =	ssyncset.done $0x0  }
0x3d: {  	[sflag:s3] =	ssyncadd.s32 $0xFFFFFE00  }
0x3e: {  	[tilespmem:s7], [sflag:$0x1] =	stream.indirect.gather [hbm4b:s5+s6], $0x10, s2, s6, $0xb8;
	[tilespmem:$0x4200] =	vst v63  }
0x3f: {  	_ = 	snop  }
0x40: {  	[tilespmem:s9], [sflag:$0x1] =	stream.indirect.gather [hbm4b:s8+s6], $0x10, s2, s6, $0xb8;
	[tilespmem:$0x4200] =	vst v63  }
0x41: {  	_ = 	snop  }
0x42: {  	[tilespmem:s10], [sflag:$0x1] =	stream.indirect.gather [hbm4b:s5+s6], $0x10, s6, s6, $0xb8;
	[tilespmem:$0x4200] =	vst v63  }
0x43: {  	_ = 	snop  }
0x44: {  	[tilespmem:s11], [sflag:$0x1] =	stream.indirect.gather [hbm4b:s8+s6], $0x10, s6, s6, $0xb8;
	[tilespmem:$0x4200] =	vst v63  }
0x45: {  	_ = 	snop  }
0x46: {  	[tilespmem:s13], [sflag:$0x1] =	stream.indirect.gather [hbm4b:s5+s6], $0x10, s12, s6, $0xb8;
	[tilespmem:$0x4200] =	vst v63  }
0x47: {  	_ = 	snop  }
0x48: {  	[tilespmem:s14], [sflag:$0x1] =	stream.indirect.gather [hbm4b:s8+s6], $0x10, s12, s6, $0xb8;
	[tilespmem:$0x4200] =	vst v63  }
0x49: {  	_ = 	snop  }
0x4a: {  	[tilespmem:s16], [sflag:$0x1] =	stream.indirect.gather [hbm4b:s5+s6], $0x10, s15, s6, $0xb8;
	[tilespmem:$0x4200] =	vst v63  }
0x4b: {  	_ = 	snop  }
0x4c: {  	[tilespmem:s17], [sflag:$0x1] =	stream.indirect.gather [hbm4b:s8+s6], $0x10, s15, s6, $0xb8;
	[tilespmem:$0x4200] =	vst v63  }
0x4d: {  	_ =	swait.ge [sflag:s18], $0x800  }
0x4e: {  	[sflag:s18] =	ssyncset.done $0x0  }
0x4f: {  	[sflag:s18] =	ssyncadd.s32 $0xFFFFF800  }
0x50: {  	_ =	swait.ge [sflag:s18], $0x800  }
0x51: {  	[sflag:s18] =	ssyncset.done $0x0  }
0x52: {  	[sflag:s18] =	ssyncadd.s32 $0xFFFFF800  }
0x53: {  	_ =	swait.ge [sflag:s18], $0x800  }
0x54: {  	[sflag:s18] =	ssyncset.done $0x0  }
0x55: {  	[sflag:s18] =	ssyncadd.s32 $0xFFFFF800  }
0x56: {  	_ =	swait.ge [sflag:s18], $0x800  }
0x57: {  	[sflag:s18] =	ssyncset.done $0x0  }
0x58: {  	[sflag:s18] =	ssyncadd.s32 $0xFFFFF800  }
0x59: {  	_ =	swait.ge [sflag:s18], $0x800  }
0x5a: {  	[sflag:s18] =	ssyncset.done $0x0  }
0x5b: {  	[sflag:s18] =	ssyncadd.s32 $0xFFFFF800  }
0x5c: {  	_ =	swait.ge [sflag:s18], $0x800  }
0x5d: {  	[sflag:s18] =	ssyncset.done $0x0  }
0x5e: {  	[sflag:s18] =	ssyncadd.s32 $0xFFFFF800  }
0x5f: {  	_ =	swait.ge [sflag:s18], $0x800  }
0x60: {  	[sflag:s18] =	ssyncset.done $0x0  }
0x61: {  	[sflag:s18] =	ssyncadd.s32 $0xFFFFF800  }
0x62: {  	_ =	swait.ge [sflag:s18], $0x800  }
0x63: {  	[sflag:s18] =	ssyncset.done $0x0  }
0x64: {  	[sflag:s18] =	ssyncadd.s32 $0xFFFFF800  }
0x65: {  	[hbm4b:s19+s2] =	stream.linear.scatter [tilespmem:s7], [sflag:$0x2], $0x2000, $0x38;
	[tilespmem:$0x4200] =	vst v63  }
0x66: {  	_ =	swait.ge [sflag:s3], $0x2000  }
.Ltmp1:
0x67: {  	[sflag:s3] =	ssyncset.done $0x0;
	(pc) =	sbr.rel @p0 .LBB2_1-.Ltmp1, $4  }
0x68: {  	[sflag:s3] =	ssyncadd.s32 $0xFFFFE000  }
0x69: {  	[hbm4b:s20+s2] =	stream.linear.scatter [tilespmem:s9], [sflag:$0x2], $0x2000, $0x38;
	[tilespmem:$0x4200] =	vst v63  }
0x6a: {  	_ =	swait.ge [sflag:s3], $0x2000  }
0x6b: {  	[sflag:s3] =	ssyncset.done $0x0  }
.LBB2_2:
0x6c: {  	[sflag:s3] =	ssyncadd.s32 $0xFFFFE000  }
0x6d: {  	_ =	sfence.sel $0x180000  }
0x6e: {  	[bflag:$0x0] =	sbarrier.arrive $0xFFFF  }
0x6f: {  	p0 =	sne.s32 s0, $0x0;
	_ =	strace $0x90000047  }
0x70: {  	s0 =	sadd.s32 @!p0 $0x100000, s1;
	[bflag:$0x2] =	sbarrier.arrive $0xFFFF  }
0x71: {  	[sflag:s0] =	ssyncadd.tile.s32 @!p0 $0x1;
	_ =	shalt  }
.Lfunc_end2:
_tile_overlayer_lowered:
.L_overlay_start_2:
0x72: {  	(tag) =	ssettag $0x2  }
0x73: {  	s0 =	rddreg [dreg:$0x0];
	s2 =	stileid.u32  }
0x74: {  	s1 =	rddreg [dreg:$0x1];
	p0 =	sne.s32 s2, $0x0  }
0x75: {  	s3 =	rddreg [dreg:$0x2];
	[bflag:$0x3] =	sbarrier.arrive $0xFFFF;
	s2 =	simm.s32 @!p0 $0x1C02  }
0x76: {  	[timem:s3], [sflag:s2] =	dma.local @!p0 [hbm:s0], s1  }
0x77: {  	s0 =	simm.s32 @!p0 $0x2  }
0x78: {  	_ =	swait.ge @!p0 [sflag:s0], s1  }
0x79: {  	s1 =	ssub.s32 @!p0 $0x0, s1;
	[sflag:s0] =	ssyncset.done @!p0 $0x0  }
0x7a: {  	[sflag:s0] =	ssyncadd.s32 @!p0 s1  }
0x7b: {  	[bflag:$0x3] =	sbarrier.arrive $0xFFFF  }
0x7c: {  	_ =	shalt  }

</sc_bundles>
